<compile_context>
chip_gen: v7x
topology: tpu7x:2x2x1
jax: 0.10.2.dev20260603
libtpu: 0.0.44.dev20260713+nightly
codegen_flags: <defaults>
</compile_context>

<pallas_src>
import functools

import jax
import jax.numpy as jnp
from jax import lax
from jax.experimental import pallas as pl
from jax.experimental.pallas import tpu as pltpu
from jax.experimental.pallas import tpu_sc as plsc

NC, NS = 2, 16
NW = NC * NS
L = 128
B, NEG, D = 4096, 200, 64
LP = 136
BT = B // L
N8 = NEG // 8

_mesh = plsc.VectorSubcoreMesh(
    core_axis_name="c", subcore_axis_name="s", num_cores=NC, num_subcores=NS)


@functools.partial(
    pl.kernel,
    out_type=(
        jax.ShapeDtypeStruct((B, D), jnp.float32),
        jax.ShapeDtypeStruct((B, D), jnp.float32),
        jax.ShapeDtypeStruct((NEG, 8, BT, 8, L), jnp.float32),
    ),
    mesh=_mesh,
    scratch_types=[
        pltpu.VMEM((L,), jnp.int32),
        pltpu.VMEM((L, D), jnp.float32),
        pltpu.VMEM((N8, 8, L), jnp.int32),
        pltpu.VMEM((L, 2 * D), jnp.float32),
        pltpu.VMEM((L, 2 * D), jnp.float32),
        pltpu.VMEM((8, 8, LP), jnp.float32),
        pltpu.VMEM((8, 8, LP), jnp.float32),
        pltpu.SemaphoreType.DMA,
        pltpu.SemaphoreType.DMA,
        pltpu.SemaphoreType.DMA,
        pltpu.SemaphoreType.DMA,
    ],
    compiler_params=pltpu.CompilerParams(
        use_tc_tiling_on_sc=False, needs_layout_passes=False),
)
def _gather_kernel(head_idx, rel_idx, neg_q, ent, rel,
                   head_out, rel_out, q_out,
                   hidx_v, relrows_v, idx_v, rows0, rows1, blk0, blk1,
                   gsem0, gsem1, wsem0, wsem1):
    wid = lax.axis_index("s") * NC + lax.axis_index("c")
    rows = (rows0, rows1)
    blks = (blk0, blk1)
    gsems = (gsem0, gsem1)
    wsems = (wsem0, wsem1)

    pltpu.sync_copy(head_idx.at[wid], hidx_v)
    pltpu.async_copy(ent.at[hidx_v], rows0, gsem0).wait()
    pltpu.async_copy(rows0.at[:, pl.ds(0, D)],
                     head_out.at[pl.ds(wid * L, L)], wsem0).wait()

    pltpu.sync_copy(rel_idx.at[wid], hidx_v)
    pltpu.async_copy(rel.at[hidx_v], relrows_v, gsem0).wait()
    pltpu.async_copy(relrows_v, rel_out.at[pl.ds(wid * L, L)], wsem0).wait()

    pltpu.sync_copy(neg_q.at[:, wid], idx_v)

    def fire_gather(n, h):
        pltpu.async_copy(ent.at[idx_v.at[n // 8, n % 8]], rows[h], gsems[h])

    def drain_gather(h):
        pltpu.make_async_copy(ent.at[hidx_v], rows[h], gsems[h]).wait()

    iota16 = jnp.arange(16, dtype=jnp.int32)
    f8_idx = [(iota16 + 16 * k) // 8 for k in range(D // 16)]
    fr_idx = [(iota16 + 16 * k) % 8 for k in range(D // 16)]

    KD = D // 16
    zeros16 = jnp.zeros((16,), jnp.int32)

    def transpose(h):
        src, dst = rows[h], blks[h]

        def tb(r, carry):
            colv = zeros16 + r
            vals = [src[r, pl.ds(16 * k, 16)] for k in range(KD)]
            for k in range(KD):
                plsc.store_scatter(dst, [f8_idx[k], fr_idx[k], colv], vals[k])
            return carry

        lax.fori_loop(0, L, tb, 0, unroll=8)

    def fire_writeback(n, h):
        pltpu.async_copy(blks[h].at[:, :, pl.ds(0, L)],
                         q_out.at[n, :, wid], wsems[h])

    def drain_writeback(n, h):
        pltpu.make_async_copy(blks[h].at[:, :, pl.ds(0, L)],
                              q_out.at[n, :, wid], wsems[h]).wait()

    fire_gather(0, 0)

    def body(p, carry):
        for h in (0, 1):
            n = 2 * p + h

            @pl.when(n + 1 < NEG)
            def _():
                fire_gather(n + 1, 1 - h)

            drain_gather(h)

            @pl.when(n >= 2)
            def _():
                drain_writeback(n - 2, h)

            transpose(h)
            fire_writeback(n, h)
        return carry

    lax.fori_loop(0, NEG // 2, body, 0)
    drain_writeback(NEG - 2, 0)
    drain_writeback(NEG - 1, 1)


def kernel(sample, negative_sample, entity_embedding, relation_embedding):
    head_idx = sample[:, 0].astype(jnp.int32).reshape(BT, L)
    rel_idx = sample[:, 1].astype(jnp.int32).reshape(BT, L)
    neg_q = (negative_sample.astype(jnp.int32).T
             .reshape(N8, 8, BT, L).transpose(0, 2, 1, 3))
    ent_pad = jnp.pad(entity_embedding, ((0, 0), (0, D)))
    head, relation, q = _gather_kernel(
        head_idx, rel_idx, neg_q, ent_pad, relation_embedding)
    tail = q.transpose(2, 4, 0, 1, 3).reshape(B, NEG, D)
    return head[:, None, :], relation[:, None, :], tail

# --- scband reference (transcript-rebuilt; emitter-appended) ---
"""Pipeline reference for scband-base-model-74981539053569 (READ-ONLY COPY).

The authoritative reference and input builder live on the scoring server;
editing this copy changes nothing except your own understanding.
"""

import jax, jax.numpy as jnp
import numpy as np

N_ENTITY = 1000000
N_RELATION = 1000
ENTITY_DIM = 64
RELATION_DIM = 64
HIDDEN_DIM = 64
GAMMA = 12.0
EPSILON = 2.0
BATCH = 4096
NEG = 200


def setup_inputs(seed: int = 0) -> dict:
    key = jax.random.key(seed)
    k1, k2, k3, k4 = jax.random.split(key, 4)
    embedding_range = (GAMMA + EPSILON) / HIDDEN_DIM
    entity_embedding = jax.random.uniform(
        k1, (N_ENTITY, ENTITY_DIM), dtype=jnp.float32,
        minval=-embedding_range, maxval=embedding_range)
    relation_embedding = jax.random.uniform(
        k2, (N_RELATION, RELATION_DIM), dtype=jnp.float32,
        minval=-embedding_range, maxval=embedding_range)
    sample = jax.random.randint(k3, (BATCH, 3), 0, 1000, dtype=jnp.int64)
    negative_sample = jax.random.randint(k4, (BATCH, NEG), 0, N_ENTITY, dtype=jnp.int64)
    return {
        'sample': sample,
        'negative_sample': negative_sample,
        'entity_embedding': entity_embedding,
        'relation_embedding': relation_embedding,
    }


def reference(sample, negative_sample, entity_embedding, relation_embedding):
    # BaseModel.batch(..., mode='tail-batch') -> tail_batch
    batch_size = negative_sample.shape[0]
    negative_sample_size = negative_sample.shape[1]
    # head = index_select(entity_embedding, sample[:,0]).unsqueeze(1)
    head = jnp.take(entity_embedding, sample[:, 0], axis=0)[:, None, :]
    # relation = index_select(relation_embedding, sample[:,1]).unsqueeze(1)
    relation = jnp.take(relation_embedding, sample[:, 1], axis=0)[:, None, :]
    # tail = index_select(entity_embedding, negative_sample.view(-1)).view(B, neg, -1)
    tail = jnp.take(entity_embedding, negative_sample.reshape(-1), axis=0)
    tail = tail.reshape(batch_size, negative_sample_size, -1)
    return (head, relation, tail)

if __name__ == "__main__":
    import jax
    _d = setup_inputs()
    print(jax.jit(kernel)(*tuple(_d.values())))

</pallas_src>

<mosaic_0001>
#map = affine_map<(d0, d1) -> (0, 0)>
#map1 = affine_map<(d0, d1) -> (0, 0, 0, 0)>
#map2 = affine_map<(d0, d1) -> (0, 0, 0, 0, 0)>
module attributes {stable_mosaic.version = 14 : i64} {
  func.func @_gather_kernel(%arg0: i32, %arg1: i32, %arg2: memref<32x128xi32, #tpu.memory_space<hbm>>, %arg3: memref<32x128xi32, #tpu.memory_space<hbm>>, %arg4: memref<25x32x8x128xi32, #tpu.memory_space<hbm>>, %arg5: memref<1000000x128xf32, #tpu.memory_space<hbm>>, %arg6: memref<1000x64xf32, #tpu.memory_space<hbm>>, %arg7: memref<4096x64xf32, #tpu.memory_space<hbm>>, %arg8: memref<4096x64xf32, #tpu.memory_space<hbm>>, %arg9: memref<200x8x32x8x128xf32, #tpu.memory_space<hbm>>, %arg10: memref<128xi32, #tpu.memory_space<vmem>>, %arg11: memref<128x64xf32, #tpu.memory_space<vmem>>, %arg12: memref<25x8x128xi32, #tpu.memory_space<vmem>>, %arg13: memref<128x128xf32, #tpu.memory_space<vmem>>, %arg14: memref<128x128xf32, #tpu.memory_space<vmem>>, %arg15: memref<8x8x136xf32, #tpu.memory_space<vmem>>, %arg16: memref<8x8x136xf32, #tpu.memory_space<vmem>>, %arg17: memref<!tpu.dma_semaphore, #tpu.memory_space<semaphore_mem>>, %arg18: memref<!tpu.dma_semaphore, #tpu.memory_space<semaphore_mem>>, %arg19: memref<!tpu.dma_semaphore, #tpu.memory_space<semaphore_mem>>, %arg20: memref<!tpu.dma_semaphore, #tpu.memory_space<semaphore_mem>>) attributes {dimension_semantics = [#tpu.dimension_semantics<core_parallel>, #tpu.dimension_semantics<subcore_parallel>], iteration_bounds = array<i64: 2, 16>, scalar_prefetch = 0 : i64, scratch_operands = 11 : i64, tpu.core_type = #tpu.core_type<sc_vector_subcore>, window_params = [{transform_indices = #map}, {transform_indices = #map}, {transform_indices = #map1}, {transform_indices = #map}, {transform_indices = #map}, {transform_indices = #map}, {transform_indices = #map}, {transform_indices = #map2}]} {
    %mul3A = arith.constant 2 : i32
    %mul3A_0 = arith.muli %arg1, %mul3A : i32
    %add3A = arith.addi %mul3A_0, %arg0 : i32
    "tpu.region"() ({
      %run_scoped3A = tpu.sem_alloc : memref<!tpu.dma_semaphore, #tpu.memory_space<semaphore_mem>>
      %dma_start3A_321 = arith.constant 0 : i32
      %dma_start3A_322 = tpu.memref_slice %arg2[%add3A, %dma_start3A_321] : memref<32x128xi32, #tpu.memory_space<hbm>> -> memref<1x128xi32, #tpu.memory_space<hbm>>
      %dma_start3A_323 = tpu.memref_squeeze %dma_start3A_322 : memref<1x128xi32, #tpu.memory_space<hbm>> -> memref<128xi32, #tpu.memory_space<hbm>>
      %dma_start3A_324 = arith.constant 0 : i32
      %dma_start3A_325 = tpu.memref_slice %arg2[%add3A, %dma_start3A_324] : memref<32x128xi32, #tpu.memory_space<hbm>> -> memref<1x128xi32, #tpu.memory_space<hbm>>
      %dma_start3A_326 = tpu.memref_squeeze %dma_start3A_325 : memref<1x128xi32, #tpu.memory_space<hbm>> -> memref<128xi32, #tpu.memory_space<hbm>>
      tpu.enqueue_dma source(%dma_start3A_326 : memref<128xi32, #tpu.memory_space<hbm>>) target(%arg10 : memref<128xi32, #tpu.memory_space<vmem>>) target_semaphore(%run_scoped3A : memref<!tpu.dma_semaphore, #tpu.memory_space<semaphore_mem>>)
      %dma_wait3A_327 = arith.constant 0 : i32
      %dma_wait3A_328 = tpu.memref_slice %arg2[%add3A, %dma_wait3A_327] : memref<32x128xi32, #tpu.memory_space<hbm>> -> memref<1x128xi32, #tpu.memory_space<hbm>>
      %dma_wait3A_329 = tpu.memref_squeeze %dma_wait3A_328 : memref<1x128xi32, #tpu.memory_space<hbm>> -> memref<128xi32, #tpu.memory_space<hbm>>
      %dma_wait3A_330 = arith.constant 0 : i32
      %dma_wait3A_331 = tpu.memref_slice %arg2[%add3A, %dma_wait3A_330] : memref<32x128xi32, #tpu.memory_space<hbm>> -> memref<1x128xi32, #tpu.memory_space<hbm>>
      %dma_wait3A_332 = tpu.memref_squeeze %dma_wait3A_331 : memref<1x128xi32, #tpu.memory_space<hbm>> -> memref<128xi32, #tpu.memory_space<hbm>>
      tpu.wait_dma2 semaphore(%run_scoped3A : memref<!tpu.dma_semaphore, #tpu.memory_space<semaphore_mem>>) src(%dma_wait3A_332 : memref<128xi32, #tpu.memory_space<hbm>>) dst(%arg10 : memref<128xi32, #tpu.memory_space<vmem>>)
      tpu.yield
    }) : () -> ()
    %dma_start3A = arith.constant 0 : i32
    %dma_start3A_1 = arith.constant 0 : i32
    %dma_start3A_2 = tpu.memref_slice %arg5[%dma_start3A, %dma_start3A_1] : memref<1000000x128xf32, #tpu.memory_space<hbm>> -> memref<1000000x128xf32, #tpu.memory_space<hbm>>
    tpu.enqueue_indirect_dma source(%dma_start3A_2 : memref<1000000x128xf32, #tpu.memory_space<hbm>>) target(%arg13 : memref<128x128xf32, #tpu.memory_space<vmem>>) offsets(%arg10 : memref<128xi32, #tpu.memory_space<vmem>>) semaphore(%arg17 : memref<!tpu.dma_semaphore, #tpu.memory_space<semaphore_mem>>)
    %dma_wait3A = arith.constant 0 : i32
    %dma_wait3A_3 = arith.constant 0 : i32
    %dma_wait3A_4 = tpu.memref_slice %arg5[%dma_wait3A, %dma_wait3A_3] : memref<1000000x128xf32, #tpu.memory_space<hbm>> -> memref<1000000x128xf32, #tpu.memory_space<hbm>>
    tpu.wait_indirect_dma semaphore(%arg17 : memref<!tpu.dma_semaphore, #tpu.memory_space<semaphore_mem>>) src(%dma_wait3A_4 : memref<1000000x128xf32, #tpu.memory_space<hbm>>) dst(%arg13 : memref<128x128xf32, #tpu.memory_space<vmem>>)
    %mul3A_5 = arith.constant 128 : i32
    %mul3A_6 = arith.muli %add3A, %mul3A_5 : i32
    %dma_start3A_7 = arith.constant 0 : i32
    %dma_start3A_8 = arith.constant 0 : i32
    %dma_start3A_9 = tpu.memref_slice %arg13[%dma_start3A_7, %dma_start3A_8] : memref<128x128xf32, #tpu.memory_space<vmem>> -> memref<128x64xf32, #tpu.memory_space<vmem>>
    %dma_start3A_10 = arith.constant 0 : i32
    %dma_start3A_11 = tpu.memref_slice %arg7[%mul3A_6, %dma_start3A_10] : memref<4096x64xf32, #tpu.memory_space<hbm>> -> memref<128x64xf32, #tpu.memory_space<hbm>>
    %dma_start3A_12 = arith.constant 0 : i32
    %dma_start3A_13 = tpu.memref_slice %arg7[%mul3A_6, %dma_start3A_12] : memref<4096x64xf32, #tpu.memory_space<hbm>> -> memref<128x64xf32, #tpu.memory_space<hbm>>
    %dma_start3A_14 = arith.constant 0 : i32
    %dma_start3A_15 = arith.constant 0 : i32
    %dma_start3A_16 = tpu.memref_slice %arg13[%dma_start3A_14, %dma_start3A_15] : memref<128x128xf32, #tpu.memory_space<vmem>> -> memref<128x64xf32, #tpu.memory_space<vmem>>
    tpu.enqueue_dma source(%dma_start3A_16 : memref<128x64xf32, #tpu.memory_space<vmem>>) target(%dma_start3A_13 : memref<128x64xf32, #tpu.memory_space<hbm>>) target_semaphore(%arg19 : memref<!tpu.dma_semaphore, #tpu.memory_space<semaphore_mem>>)
    %dma_wait3A_17 = arith.constant 0 : i32
    %dma_wait3A_18 = arith.constant 0 : i32
    %dma_wait3A_19 = tpu.memref_slice %arg13[%dma_wait3A_17, %dma_wait3A_18] : memref<128x128xf32, #tpu.memory_space<vmem>> -> memref<128x64xf32, #tpu.memory_space<vmem>>
    %dma_wait3A_20 = arith.constant 0 : i32
    %dma_wait3A_21 = tpu.memref_slice %arg7[%mul3A_6, %dma_wait3A_20] : memref<4096x64xf32, #tpu.memory_space<hbm>> -> memref<128x64xf32, #tpu.memory_space<hbm>>
    %dma_wait3A_22 = arith.constant 0 : i32
    %dma_wait3A_23 = tpu.memref_slice %arg7[%mul3A_6, %dma_wait3A_22] : memref<4096x64xf32, #tpu.memory_space<hbm>> -> memref<128x64xf32, #tpu.memory_space<hbm>>
    %dma_wait3A_24 = arith.constant 0 : i32
    %dma_wait3A_25 = arith.constant 0 : i32
    %dma_wait3A_26 = tpu.memref_slice %arg13[%dma_wait3A_24, %dma_wait3A_25] : memref<128x128xf32, #tpu.memory_space<vmem>> -> memref<128x64xf32, #tpu.memory_space<vmem>>
    tpu.wait_dma2 semaphore(%arg19 : memref<!tpu.dma_semaphore, #tpu.memory_space<semaphore_mem>>) src(%dma_wait3A_26 : memref<128x64xf32, #tpu.memory_space<vmem>>) dst(%dma_wait3A_23 : memref<128x64xf32, #tpu.memory_space<hbm>>)
    "tpu.region"() ({
      %run_scoped3A = tpu.sem_alloc : memref<!tpu.dma_semaphore, #tpu.memory_space<semaphore_mem>>
      %dma_start3A_321 = arith.constant 0 : i32
      %dma_start3A_322 = tpu.memref_slice %arg3[%add3A, %dma_start3A_321] : memref<32x128xi32, #tpu.memory_space<hbm>> -> memref<1x128xi32, #tpu.memory_space<hbm>>
      %dma_start3A_323 = tpu.memref_squeeze %dma_start3A_322 : memref<1x128xi32, #tpu.memory_space<hbm>> -> memref<128xi32, #tpu.memory_space<hbm>>
      %dma_start3A_324 = arith.constant 0 : i32
      %dma_start3A_325 = tpu.memref_slice %arg3[%add3A, %dma_start3A_324] : memref<32x128xi32, #tpu.memory_space<hbm>> -> memref<1x128xi32, #tpu.memory_space<hbm>>
      %dma_start3A_326 = tpu.memref_squeeze %dma_start3A_325 : memref<1x128xi32, #tpu.memory_space<hbm>> -> memref<128xi32, #tpu.memory_space<hbm>>
      tpu.enqueue_dma source(%dma_start3A_326 : memref<128xi32, #tpu.memory_space<hbm>>) target(%arg10 : memref<128xi32, #tpu.memory_space<vmem>>) target_semaphore(%run_scoped3A : memref<!tpu.dma_semaphore, #tpu.memory_space<semaphore_mem>>)
      %dma_wait3A_327 = arith.constant 0 : i32
      %dma_wait3A_328 = tpu.memref_slice %arg3[%add3A, %dma_wait3A_327] : memref<32x128xi32, #tpu.memory_space<hbm>> -> memref<1x128xi32, #tpu.memory_space<hbm>>
      %dma_wait3A_329 = tpu.memref_squeeze %dma_wait3A_328 : memref<1x128xi32, #tpu.memory_space<hbm>> -> memref<128xi32, #tpu.memory_space<hbm>>
      %dma_wait3A_330 = arith.constant 0 : i32
      %dma_wait3A_331 = tpu.memref_slice %arg3[%add3A, %dma_wait3A_330] : memref<32x128xi32, #tpu.memory_space<hbm>> -> memref<1x128xi32, #tpu.memory_space<hbm>>
      %dma_wait3A_332 = tpu.memref_squeeze %dma_wait3A_331 : memref<1x128xi32, #tpu.memory_space<hbm>> -> memref<128xi32, #tpu.memory_space<hbm>>
      tpu.wait_dma2 semaphore(%run_scoped3A : memref<!tpu.dma_semaphore, #tpu.memory_space<semaphore_mem>>) src(%dma_wait3A_332 : memref<128xi32, #tpu.memory_space<hbm>>) dst(%arg10 : memref<128xi32, #tpu.memory_space<vmem>>)
      tpu.yield
    }) : () -> ()
    %dma_start3A_27 = arith.constant 0 : i32
    %dma_start3A_28 = arith.constant 0 : i32
    %dma_start3A_29 = tpu.memref_slice %arg6[%dma_start3A_27, %dma_start3A_28] : memref<1000x64xf32, #tpu.memory_space<hbm>> -> memref<1000x64xf32, #tpu.memory_space<hbm>>
    tpu.enqueue_indirect_dma source(%dma_start3A_29 : memref<1000x64xf32, #tpu.memory_space<hbm>>) target(%arg11 : memref<128x64xf32, #tpu.memory_space<vmem>>) offsets(%arg10 : memref<128xi32, #tpu.memory_space<vmem>>) semaphore(%arg17 : memref<!tpu.dma_semaphore, #tpu.memory_space<semaphore_mem>>)
    %dma_wait3A_30 = arith.constant 0 : i32
    %dma_wait3A_31 = arith.constant 0 : i32
    %dma_wait3A_32 = tpu.memref_slice %arg6[%dma_wait3A_30, %dma_wait3A_31] : memref<1000x64xf32, #tpu.memory_space<hbm>> -> memref<1000x64xf32, #tpu.memory_space<hbm>>
    tpu.wait_indirect_dma semaphore(%arg17 : memref<!tpu.dma_semaphore, #tpu.memory_space<semaphore_mem>>) src(%dma_wait3A_32 : memref<1000x64xf32, #tpu.memory_space<hbm>>) dst(%arg11 : memref<128x64xf32, #tpu.memory_space<vmem>>)
    %mul3A_33 = arith.constant 128 : i32
    %mul3A_34 = arith.muli %add3A, %mul3A_33 : i32
    %dma_start3A_35 = arith.constant 0 : i32
    %dma_start3A_36 = tpu.memref_slice %arg8[%mul3A_34, %dma_start3A_35] : memref<4096x64xf32, #tpu.memory_space<hbm>> -> memref<128x64xf32, #tpu.memory_space<hbm>>
    %dma_start3A_37 = arith.constant 0 : i32
    %dma_start3A_38 = tpu.memref_slice %arg8[%mul3A_34, %dma_start3A_37] : memref<4096x64xf32, #tpu.memory_space<hbm>> -> memref<128x64xf32, #tpu.memory_space<hbm>>
    tpu.enqueue_dma source(%arg11 : memref<128x64xf32, #tpu.memory_space<vmem>>) target(%dma_start3A_38 : memref<128x64xf32, #tpu.memory_space<hbm>>) target_semaphore(%arg19 : memref<!tpu.dma_semaphore, #tpu.memory_space<semaphore_mem>>)
    %dma_wait3A_39 = arith.constant 0 : i32
    %dma_wait3A_40 = tpu.memref_slice %arg8[%mul3A_34, %dma_wait3A_39] : memref<4096x64xf32, #tpu.memory_space<hbm>> -> memref<128x64xf32, #tpu.memory_space<hbm>>
    %dma_wait3A_41 = arith.constant 0 : i32
    %dma_wait3A_42 = tpu.memref_slice %arg8[%mul3A_34, %dma_wait3A_41] : memref<4096x64xf32, #tpu.memory_space<hbm>> -> memref<128x64xf32, #tpu.memory_space<hbm>>
    tpu.wait_dma2 semaphore(%arg19 : memref<!tpu.dma_semaphore, #tpu.memory_space<semaphore_mem>>) src(%arg11 : memref<128x64xf32, #tpu.memory_space<vmem>>) dst(%dma_wait3A_42 : memref<128x64xf32, #tpu.memory_space<hbm>>)
    "tpu.region"() ({
      %run_scoped3A = tpu.sem_alloc : memref<!tpu.dma_semaphore, #tpu.memory_space<semaphore_mem>>
      %dma_start3A_321 = arith.constant 0 : i32
      %dma_start3A_322 = arith.constant 0 : i32
      %dma_start3A_323 = arith.constant 0 : i32
      %dma_start3A_324 = tpu.memref_slice %arg4[%dma_start3A_321, %add3A, %dma_start3A_322, %dma_start3A_323] : memref<25x32x8x128xi32, #tpu.memory_space<hbm>> -> memref<25x1x8x128xi32, #tpu.memory_space<hbm>>
      %dma_start3A_325 = tpu.memref_squeeze %dma_start3A_324 : memref<25x1x8x128xi32, #tpu.memory_space<hbm>> -> memref<25x8x128xi32, #tpu.memory_space<hbm>>
      %dma_start3A_326 = arith.constant 0 : i32
      %dma_start3A_327 = arith.constant 0 : i32
      %dma_start3A_328 = arith.constant 0 : i32
      %dma_start3A_329 = tpu.memref_slice %arg4[%dma_start3A_326, %add3A, %dma_start3A_327, %dma_start3A_328] : memref<25x32x8x128xi32, #tpu.memory_space<hbm>> -> memref<25x1x8x128xi32, #tpu.memory_space<hbm>>
      %dma_start3A_330 = tpu.memref_squeeze %dma_start3A_329 : memref<25x1x8x128xi32, #tpu.memory_space<hbm>> -> memref<25x8x128xi32, #tpu.memory_space<hbm>>
      tpu.enqueue_dma source(%dma_start3A_330 : memref<25x8x128xi32, #tpu.memory_space<hbm>>) target(%arg12 : memref<25x8x128xi32, #tpu.memory_space<vmem>>) target_semaphore(%run_scoped3A : memref<!tpu.dma_semaphore, #tpu.memory_space<semaphore_mem>>)
      %dma_wait3A_331 = arith.constant 0 : i32
      %dma_wait3A_332 = arith.constant 0 : i32
      %dma_wait3A_333 = arith.constant 0 : i32
      %dma_wait3A_334 = tpu.memref_slice %arg4[%dma_wait3A_331, %add3A, %dma_wait3A_332, %dma_wait3A_333] : memref<25x32x8x128xi32, #tpu.memory_space<hbm>> -> memref<25x1x8x128xi32, #tpu.memory_space<hbm>>
      %dma_wait3A_335 = tpu.memref_squeeze %dma_wait3A_334 : memref<25x1x8x128xi32, #tpu.memory_space<hbm>> -> memref<25x8x128xi32, #tpu.memory_space<hbm>>
      %dma_wait3A_336 = arith.constant 0 : i32
      %dma_wait3A_337 = arith.constant 0 : i32
      %dma_wait3A_338 = arith.constant 0 : i32
      %dma_wait3A_339 = tpu.memref_slice %arg4[%dma_wait3A_336, %add3A, %dma_wait3A_337, %dma_wait3A_338] : memref<25x32x8x128xi32, #tpu.memory_space<hbm>> -> memref<25x1x8x128xi32, #tpu.memory_space<hbm>>
      %dma_wait3A_340 = tpu.memref_squeeze %dma_wait3A_339 : memref<25x1x8x128xi32, #tpu.memory_space<hbm>> -> memref<25x8x128xi32, #tpu.memory_space<hbm>>
      tpu.wait_dma2 semaphore(%run_scoped3A : memref<!tpu.dma_semaphore, #tpu.memory_space<semaphore_mem>>) src(%dma_wait3A_340 : memref<25x8x128xi32, #tpu.memory_space<hbm>>) dst(%arg12 : memref<25x8x128xi32, #tpu.memory_space<vmem>>)
      tpu.yield
    }) : () -> ()
    %iota3A = tpu.iota {dimensions = array<i32: 0>} : vector<16xi32>
    %add3A_43 = arith.constant 0 : i32
    %add3A_44 = vector.broadcast %add3A_43 : i32 to vector<16xi32>
    %add3A_45 = arith.addi %iota3A, %add3A_44 : vector<16xi32>
    %jit3A = arith.constant 8 : i32
    %div3A = vector.broadcast %jit3A : i32 to vector<16xi32>
    %div3A_46 = arith.divsi %add3A_45, %div3A : vector<16xi32>
    %sign3A = arith.constant 0 : i32
    %sign3A_47 = vector.broadcast %sign3A : i32 to vector<16xi32>
    %sign3A_48 = arith.cmpi sgt, %add3A_45, %sign3A_47 : vector<16xi32>
    %sign3A_49 = arith.extui %sign3A_48 : vector<16xi1> to vector<16xi32>
    %sign3A_50 = arith.constant 0 : i32
    %sign3A_51 = vector.broadcast %sign3A_50 : i32 to vector<16xi32>
    %sign3A_52 = arith.cmpi slt, %add3A_45, %sign3A_51 : vector<16xi32>
    %sign3A_53 = arith.extui %sign3A_52 : vector<16xi1> to vector<16xi32>
    %sign3A_54 = arith.subi %sign3A_49, %sign3A_53 : vector<16xi32>
    %sign3A_55 = arith.constant 0 : i32
    %sign3A_56 = arith.cmpi sgt, %jit3A, %sign3A_55 : i32
    %sign3A_57 = arith.extui %sign3A_56 : i1 to i32
    %sign3A_58 = arith.constant 0 : i32
    %sign3A_59 = arith.cmpi slt, %jit3A, %sign3A_58 : i32
    %sign3A_60 = arith.extui %sign3A_59 : i1 to i32
    %sign3A_61 = arith.subi %sign3A_57, %sign3A_60 : i32
    %ne3A = vector.broadcast %sign3A_61 : i32 to vector<16xi32>
    %ne3A_62 = arith.cmpi ne, %sign3A_54, %ne3A : vector<16xi32>
    %rem3A = vector.broadcast %jit3A : i32 to vector<16xi32>
    %rem3A_63 = arith.remsi %add3A_45, %rem3A : vector<16xi32>
    %ne3A_64 = arith.constant 0 : i32
    %ne3A_65 = vector.broadcast %ne3A_64 : i32 to vector<16xi32>
    %ne3A_66 = arith.cmpi ne, %rem3A_63, %ne3A_65 : vector<16xi32>
    %and3A = arith.andi %ne3A_62, %ne3A_66 : vector<16xi1>
    %sub3A = arith.constant 1 : i32
    %sub3A_67 = vector.broadcast %sub3A : i32 to vector<16xi32>
    %sub3A_68 = arith.subi %div3A_46, %sub3A_67 : vector<16xi32>
    %select_n3A = arith.select %and3A, %sub3A_68, %div3A_46 : vector<16xi1>, vector<16xi32>
    %add3A_69 = arith.constant 16 : i32
    %add3A_70 = vector.broadcast %add3A_69 : i32 to vector<16xi32>
    %add3A_71 = arith.addi %iota3A, %add3A_70 : vector<16xi32>
    %jit3A_72 = arith.constant 8 : i32
    %div3A_73 = vector.broadcast %jit3A_72 : i32 to vector<16xi32>
    %div3A_74 = arith.divsi %add3A_71, %div3A_73 : vector<16xi32>
    %sign3A_75 = arith.constant 0 : i32
    %sign3A_76 = vector.broadcast %sign3A_75 : i32 to vector<16xi32>
    %sign3A_77 = arith.cmpi sgt, %add3A_71, %sign3A_76 : vector<16xi32>
    %sign3A_78 = arith.extui %sign3A_77 : vector<16xi1> to vector<16xi32>
    %sign3A_79 = arith.constant 0 : i32
    %sign3A_80 = vector.broadcast %sign3A_79 : i32 to vector<16xi32>
    %sign3A_81 = arith.cmpi slt, %add3A_71, %sign3A_80 : vector<16xi32>
    %sign3A_82 = arith.extui %sign3A_81 : vector<16xi1> to vector<16xi32>
    %sign3A_83 = arith.subi %sign3A_78, %sign3A_82 : vector<16xi32>
    %sign3A_84 = arith.constant 0 : i32
    %sign3A_85 = arith.cmpi sgt, %jit3A_72, %sign3A_84 : i32
    %sign3A_86 = arith.extui %sign3A_85 : i1 to i32
    %sign3A_87 = arith.constant 0 : i32
    %sign3A_88 = arith.cmpi slt, %jit3A_72, %sign3A_87 : i32
    %sign3A_89 = arith.extui %sign3A_88 : i1 to i32
    %sign3A_90 = arith.subi %sign3A_86, %sign3A_89 : i32
    %ne3A_91 = vector.broadcast %sign3A_90 : i32 to vector<16xi32>
    %ne3A_92 = arith.cmpi ne, %sign3A_83, %ne3A_91 : vector<16xi32>
    %rem3A_93 = vector.broadcast %jit3A_72 : i32 to vector<16xi32>
    %rem3A_94 = arith.remsi %add3A_71, %rem3A_93 : vector<16xi32>
    %ne3A_95 = arith.constant 0 : i32
    %ne3A_96 = vector.broadcast %ne3A_95 : i32 to vector<16xi32>
    %ne3A_97 = arith.cmpi ne, %rem3A_94, %ne3A_96 : vector<16xi32>
    %and3A_98 = arith.andi %ne3A_92, %ne3A_97 : vector<16xi1>
    %sub3A_99 = arith.constant 1 : i32
    %sub3A_100 = vector.broadcast %sub3A_99 : i32 to vector<16xi32>
    %sub3A_101 = arith.subi %div3A_74, %sub3A_100 : vector<16xi32>
    %select_n3A_102 = arith.select %and3A_98, %sub3A_101, %div3A_74 : vector<16xi1>, vector<16xi32>
    %add3A_103 = arith.constant 32 : i32
    %add3A_104 = vector.broadcast %add3A_103 : i32 to vector<16xi32>
    %add3A_105 = arith.addi %iota3A, %add3A_104 : vector<16xi32>
    %jit3A_106 = arith.constant 8 : i32
    %div3A_107 = vector.broadcast %jit3A_106 : i32 to vector<16xi32>
    %div3A_108 = arith.divsi %add3A_105, %div3A_107 : vector<16xi32>
    %sign3A_109 = arith.constant 0 : i32
    %sign3A_110 = vector.broadcast %sign3A_109 : i32 to vector<16xi32>
    %sign3A_111 = arith.cmpi sgt, %add3A_105, %sign3A_110 : vector<16xi32>
    %sign3A_112 = arith.extui %sign3A_111 : vector<16xi1> to vector<16xi32>
    %sign3A_113 = arith.constant 0 : i32
    %sign3A_114 = vector.broadcast %sign3A_113 : i32 to vector<16xi32>
    %sign3A_115 = arith.cmpi slt, %add3A_105, %sign3A_114 : vector<16xi32>
    %sign3A_116 = arith.extui %sign3A_115 : vector<16xi1> to vector<16xi32>
    %sign3A_117 = arith.subi %sign3A_112, %sign3A_116 : vector<16xi32>
    %sign3A_118 = arith.constant 0 : i32
    %sign3A_119 = arith.cmpi sgt, %jit3A_106, %sign3A_118 : i32
    %sign3A_120 = arith.extui %sign3A_119 : i1 to i32
    %sign3A_121 = arith.constant 0 : i32
    %sign3A_122 = arith.cmpi slt, %jit3A_106, %sign3A_121 : i32
    %sign3A_123 = arith.extui %sign3A_122 : i1 to i32
    %sign3A_124 = arith.subi %sign3A_120, %sign3A_123 : i32
    %ne3A_125 = vector.broadcast %sign3A_124 : i32 to vector<16xi32>
    %ne3A_126 = arith.cmpi ne, %sign3A_117, %ne3A_125 : vector<16xi32>
    %rem3A_127 = vector.broadcast %jit3A_106 : i32 to vector<16xi32>
    %rem3A_128 = arith.remsi %add3A_105, %rem3A_127 : vector<16xi32>
    %ne3A_129 = arith.constant 0 : i32
    %ne3A_130 = vector.broadcast %ne3A_129 : i32 to vector<16xi32>
    %ne3A_131 = arith.cmpi ne, %rem3A_128, %ne3A_130 : vector<16xi32>
    %and3A_132 = arith.andi %ne3A_126, %ne3A_131 : vector<16xi1>
    %sub3A_133 = arith.constant 1 : i32
    %sub3A_134 = vector.broadcast %sub3A_133 : i32 to vector<16xi32>
    %sub3A_135 = arith.subi %div3A_108, %sub3A_134 : vector<16xi32>
    %select_n3A_136 = arith.select %and3A_132, %sub3A_135, %div3A_108 : vector<16xi1>, vector<16xi32>
    %add3A_137 = arith.constant 48 : i32
    %add3A_138 = vector.broadcast %add3A_137 : i32 to vector<16xi32>
    %add3A_139 = arith.addi %iota3A, %add3A_138 : vector<16xi32>
    %jit3A_140 = arith.constant 8 : i32
    %div3A_141 = vector.broadcast %jit3A_140 : i32 to vector<16xi32>
    %div3A_142 = arith.divsi %add3A_139, %div3A_141 : vector<16xi32>
    %sign3A_143 = arith.constant 0 : i32
    %sign3A_144 = vector.broadcast %sign3A_143 : i32 to vector<16xi32>
    %sign3A_145 = arith.cmpi sgt, %add3A_139, %sign3A_144 : vector<16xi32>
    %sign3A_146 = arith.extui %sign3A_145 : vector<16xi1> to vector<16xi32>
    %sign3A_147 = arith.constant 0 : i32
    %sign3A_148 = vector.broadcast %sign3A_147 : i32 to vector<16xi32>
    %sign3A_149 = arith.cmpi slt, %add3A_139, %sign3A_148 : vector<16xi32>
    %sign3A_150 = arith.extui %sign3A_149 : vector<16xi1> to vector<16xi32>
    %sign3A_151 = arith.subi %sign3A_146, %sign3A_150 : vector<16xi32>
    %sign3A_152 = arith.constant 0 : i32
    %sign3A_153 = arith.cmpi sgt, %jit3A_140, %sign3A_152 : i32
    %sign3A_154 = arith.extui %sign3A_153 : i1 to i32
    %sign3A_155 = arith.constant 0 : i32
    %sign3A_156 = arith.cmpi slt, %jit3A_140, %sign3A_155 : i32
    %sign3A_157 = arith.extui %sign3A_156 : i1 to i32
    %sign3A_158 = arith.subi %sign3A_154, %sign3A_157 : i32
    %ne3A_159 = vector.broadcast %sign3A_158 : i32 to vector<16xi32>
    %ne3A_160 = arith.cmpi ne, %sign3A_151, %ne3A_159 : vector<16xi32>
    %rem3A_161 = vector.broadcast %jit3A_140 : i32 to vector<16xi32>
    %rem3A_162 = arith.remsi %add3A_139, %rem3A_161 : vector<16xi32>
    %ne3A_163 = arith.constant 0 : i32
    %ne3A_164 = vector.broadcast %ne3A_163 : i32 to vector<16xi32>
    %ne3A_165 = arith.cmpi ne, %rem3A_162, %ne3A_164 : vector<16xi32>
    %and3A_166 = arith.andi %ne3A_160, %ne3A_165 : vector<16xi1>
    %sub3A_167 = arith.constant 1 : i32
    %sub3A_168 = vector.broadcast %sub3A_167 : i32 to vector<16xi32>
    %sub3A_169 = arith.subi %div3A_142, %sub3A_168 : vector<16xi32>
    %select_n3A_170 = arith.select %and3A_166, %sub3A_169, %div3A_142 : vector<16xi1>, vector<16xi32>
    %add3A_171 = arith.constant 0 : i32
    %add3A_172 = vector.broadcast %add3A_171 : i32 to vector<16xi32>
    %add3A_173 = arith.addi %iota3A, %add3A_172 : vector<16xi32>
    %jit3A_174 = arith.constant 8 : i32
    %eq3A = arith.constant 0 : i32
    %eq3A_175 = arith.cmpi eq, %jit3A_174, %eq3A : i32
    %jit3A_176 = arith.constant 1 : i32
    %select_n3A_177 = arith.select %eq3A_175, %jit3A_176, %jit3A_174 : i32
    %rem3A_178 = vector.broadcast %select_n3A_177 : i32 to vector<16xi32>
    %rem3A_179 = arith.remsi %add3A_173, %rem3A_178 : vector<16xi32>
    %ne3A_180 = arith.constant 0 : i32
    %ne3A_181 = vector.broadcast %ne3A_180 : i32 to vector<16xi32>
    %ne3A_182 = arith.cmpi ne, %rem3A_179, %ne3A_181 : vector<16xi32>
    %lt3A = arith.constant 0 : i32
    %lt3A_183 = vector.broadcast %lt3A : i32 to vector<16xi32>
    %lt3A_184 = arith.cmpi slt, %rem3A_179, %lt3A_183 : vector<16xi32>
    %lt3A_185 = arith.constant 0 : i32
    %lt3A_186 = arith.cmpi slt, %select_n3A_177, %lt3A_185 : i32
    %ne3A_187 = vector.broadcast %lt3A_186 : i1 to vector<16xi1>
    %ne3A_188 = vector.broadcast %ne3A_187 : vector<16xi1> to vector<16xi1>
    %ne3A_189 = arith.xori %lt3A_184, %ne3A_188 : vector<16xi1>
    %and3A_190 = arith.andi %ne3A_189, %ne3A_182 : vector<16xi1>
    %add3A_191 = vector.broadcast %select_n3A_177 : i32 to vector<16xi32>
    %add3A_192 = arith.addi %rem3A_179, %add3A_191 : vector<16xi32>
    %select_n3A_193 = arith.select %and3A_190, %add3A_192, %rem3A_179 : vector<16xi1>, vector<16xi32>
    %add3A_194 = arith.constant 16 : i32
    %add3A_195 = vector.broadcast %add3A_194 : i32 to vector<16xi32>
    %add3A_196 = arith.addi %iota3A, %add3A_195 : vector<16xi32>
    %jit3A_197 = arith.constant 8 : i32
    %eq3A_198 = arith.constant 0 : i32
    %eq3A_199 = arith.cmpi eq, %jit3A_197, %eq3A_198 : i32
    %jit3A_200 = arith.constant 1 : i32
    %select_n3A_201 = arith.select %eq3A_199, %jit3A_200, %jit3A_197 : i32
    %rem3A_202 = vector.broadcast %select_n3A_201 : i32 to vector<16xi32>
    %rem3A_203 = arith.remsi %add3A_196, %rem3A_202 : vector<16xi32>
    %ne3A_204 = arith.constant 0 : i32
    %ne3A_205 = vector.broadcast %ne3A_204 : i32 to vector<16xi32>
    %ne3A_206 = arith.cmpi ne, %rem3A_203, %ne3A_205 : vector<16xi32>
    %lt3A_207 = arith.constant 0 : i32
    %lt3A_208 = vector.broadcast %lt3A_207 : i32 to vector<16xi32>
    %lt3A_209 = arith.cmpi slt, %rem3A_203, %lt3A_208 : vector<16xi32>
    %lt3A_210 = arith.constant 0 : i32
    %lt3A_211 = arith.cmpi slt, %select_n3A_201, %lt3A_210 : i32
    %ne3A_212 = vector.broadcast %lt3A_211 : i1 to vector<16xi1>
    %ne3A_213 = vector.broadcast %ne3A_212 : vector<16xi1> to vector<16xi1>
    %ne3A_214 = arith.xori %lt3A_209, %ne3A_213 : vector<16xi1>
    %and3A_215 = arith.andi %ne3A_214, %ne3A_206 : vector<16xi1>
    %add3A_216 = vector.broadcast %select_n3A_201 : i32 to vector<16xi32>
    %add3A_217 = arith.addi %rem3A_203, %add3A_216 : vector<16xi32>
    %select_n3A_218 = arith.select %and3A_215, %add3A_217, %rem3A_203 : vector<16xi1>, vector<16xi32>
    %add3A_219 = arith.constant 32 : i32
    %add3A_220 = vector.broadcast %add3A_219 : i32 to vector<16xi32>
    %add3A_221 = arith.addi %iota3A, %add3A_220 : vector<16xi32>
    %jit3A_222 = arith.constant 8 : i32
    %eq3A_223 = arith.constant 0 : i32
    %eq3A_224 = arith.cmpi eq, %jit3A_222, %eq3A_223 : i32
    %jit3A_225 = arith.constant 1 : i32
    %select_n3A_226 = arith.select %eq3A_224, %jit3A_225, %jit3A_222 : i32
    %rem3A_227 = vector.broadcast %select_n3A_226 : i32 to vector<16xi32>
    %rem3A_228 = arith.remsi %add3A_221, %rem3A_227 : vector<16xi32>
    %ne3A_229 = arith.constant 0 : i32
    %ne3A_230 = vector.broadcast %ne3A_229 : i32 to vector<16xi32>
    %ne3A_231 = arith.cmpi ne, %rem3A_228, %ne3A_230 : vector<16xi32>
    %lt3A_232 = arith.constant 0 : i32
    %lt3A_233 = vector.broadcast %lt3A_232 : i32 to vector<16xi32>
    %lt3A_234 = arith.cmpi slt, %rem3A_228, %lt3A_233 : vector<16xi32>
    %lt3A_235 = arith.constant 0 : i32
    %lt3A_236 = arith.cmpi slt, %select_n3A_226, %lt3A_235 : i32
    %ne3A_237 = vector.broadcast %lt3A_236 : i1 to vector<16xi1>
    %ne3A_238 = vector.broadcast %ne3A_237 : vector<16xi1> to vector<16xi1>
    %ne3A_239 = arith.xori %lt3A_234, %ne3A_238 : vector<16xi1>
    %and3A_240 = arith.andi %ne3A_239, %ne3A_231 : vector<16xi1>
    %add3A_241 = vector.broadcast %select_n3A_226 : i32 to vector<16xi32>
    %add3A_242 = arith.addi %rem3A_228, %add3A_241 : vector<16xi32>
    %select_n3A_243 = arith.select %and3A_240, %add3A_242, %rem3A_228 : vector<16xi1>, vector<16xi32>
    %add3A_244 = arith.constant 48 : i32
    %add3A_245 = vector.broadcast %add3A_244 : i32 to vector<16xi32>
    %add3A_246 = arith.addi %iota3A, %add3A_245 : vector<16xi32>
    %jit3A_247 = arith.constant 8 : i32
    %eq3A_248 = arith.constant 0 : i32
    %eq3A_249 = arith.cmpi eq, %jit3A_247, %eq3A_248 : i32
    %jit3A_250 = arith.constant 1 : i32
    %select_n3A_251 = arith.select %eq3A_249, %jit3A_250, %jit3A_247 : i32
    %rem3A_252 = vector.broadcast %select_n3A_251 : i32 to vector<16xi32>
    %rem3A_253 = arith.remsi %add3A_246, %rem3A_252 : vector<16xi32>
    %ne3A_254 = arith.constant 0 : i32
    %ne3A_255 = vector.broadcast %ne3A_254 : i32 to vector<16xi32>
    %ne3A_256 = arith.cmpi ne, %rem3A_253, %ne3A_255 : vector<16xi32>
    %lt3A_257 = arith.constant 0 : i32
    %lt3A_258 = vector.broadcast %lt3A_257 : i32 to vector<16xi32>
    %lt3A_259 = arith.cmpi slt, %rem3A_253, %lt3A_258 : vector<16xi32>
    %lt3A_260 = arith.constant 0 : i32
    %lt3A_261 = arith.cmpi slt, %select_n3A_251, %lt3A_260 : i32
    %ne3A_262 = vector.broadcast %lt3A_261 : i1 to vector<16xi1>
    %ne3A_263 = vector.broadcast %ne3A_262 : vector<16xi1> to vector<16xi1>
    %ne3A_264 = arith.xori %lt3A_259, %ne3A_263 : vector<16xi1>
    %and3A_265 = arith.andi %ne3A_264, %ne3A_256 : vector<16xi1>
    %add3A_266 = vector.broadcast %select_n3A_251 : i32 to vector<16xi32>
    %add3A_267 = arith.addi %rem3A_253, %add3A_266 : vector<16xi32>
    %select_n3A_268 = arith.select %and3A_265, %add3A_267, %rem3A_253 : vector<16xi1>, vector<16xi32>
    %broadcast_in_dim3A = arith.constant 0 : i32
    %broadcast_in_dim3A_269 = vector.broadcast %broadcast_in_dim3A : i32 to vector<16xi32>
    %dma_start3A_270 = arith.constant 0 : i32
    %dma_start3A_271 = arith.constant 0 : i32
    %dma_start3A_272 = arith.constant 0 : i32
    %dma_start3A_273 = tpu.memref_slice %arg12[%dma_start3A_270, %dma_start3A_271, %dma_start3A_272] : memref<25x8x128xi32, #tpu.memory_space<vmem>> -> memref<1x1x128xi32, #tpu.memory_space<vmem>>
    %dma_start3A_274 = tpu.memref_squeeze %dma_start3A_273 : memref<1x1x128xi32, #tpu.memory_space<vmem>> -> memref<128xi32, #tpu.memory_space<vmem>>
    %dma_start3A_275 = arith.constant 0 : i32
    %dma_start3A_276 = arith.constant 0 : i32
    %dma_start3A_277 = tpu.memref_slice %arg5[%dma_start3A_275, %dma_start3A_276] : memref<1000000x128xf32, #tpu.memory_space<hbm>> -> memref<1000000x128xf32, #tpu.memory_space<hbm>>
    tpu.enqueue_indirect_dma source(%dma_start3A_277 : memref<1000000x128xf32, #tpu.memory_space<hbm>>) target(%arg13 : memref<128x128xf32, #tpu.memory_space<vmem>>) offsets(%dma_start3A_274 : memref<128xi32, #tpu.memory_space<vmem>>) semaphore(%arg17 : memref<!tpu.dma_semaphore, #tpu.memory_space<semaphore_mem>>)
    %scan3A = arith.constant 0 : i32
    %scan3A_278 = arith.constant 0 : i32
    %scan3A_279 = arith.constant 100 : i32
    %scan3A_280 = arith.addi %scan3A_278, %scan3A_279 : i32
    %scan3A_281 = arith.constant 1 : i32
    scf.for %scan3A_321 = %scan3A_278 to %scan3A_280 step %scan3A_281  : i32 {
      %mul3A_322 = arith.constant 2 : i32
      %mul3A_323 = arith.muli %mul3A_322, %scan3A_321 : i32
      %add3A_324 = arith.constant 0 : i32
      %add3A_325 = arith.addi %mul3A_323, %add3A_324 : i32
      %add3A_326 = arith.constant 1 : i32
      %add3A_327 = arith.addi %add3A_325, %add3A_326 : i32
      %lt3A_328 = arith.constant 200 : i32
      %lt3A_329 = arith.cmpi slt, %add3A_327, %lt3A_328 : i32
      %convert_element_type3A = arith.extui %lt3A_329 : i1 to i32
      %cond3A = arith.constant 0 : i32
      %cond3A_330 = arith.cmpi ne, %convert_element_type3A, %cond3A : i32
      scf.if %cond3A_330 {
        %add3A_405 = arith.constant 1 : i32
        %add3A_406 = arith.addi %add3A_325, %add3A_405 : i32
        %jit3A_407 = arith.constant 8 : i32
        %div3A_408 = arith.divsi %add3A_406, %jit3A_407 : i32
        %sign3A_409 = arith.constant 0 : i32
        %sign3A_410 = arith.cmpi sgt, %add3A_406, %sign3A_409 : i32
        %sign3A_411 = arith.extui %sign3A_410 : i1 to i32
        %sign3A_412 = arith.constant 0 : i32
        %sign3A_413 = arith.cmpi slt, %add3A_406, %sign3A_412 : i32
        %sign3A_414 = arith.extui %sign3A_413 : i1 to i32
        %sign3A_415 = arith.subi %sign3A_411, %sign3A_414 : i32
        %sign3A_416 = arith.constant 0 : i32
        %sign3A_417 = arith.cmpi sgt, %jit3A_407, %sign3A_416 : i32
        %sign3A_418 = arith.extui %sign3A_417 : i1 to i32
        %sign3A_419 = arith.constant 0 : i32
        %sign3A_420 = arith.cmpi slt, %jit3A_407, %sign3A_419 : i32
        %sign3A_421 = arith.extui %sign3A_420 : i1 to i32
        %sign3A_422 = arith.subi %sign3A_418, %sign3A_421 : i32
        %ne3A_423 = arith.cmpi ne, %sign3A_415, %sign3A_422 : i32
        %rem3A_424 = arith.remsi %add3A_406, %jit3A_407 : i32
        %ne3A_425 = arith.constant 0 : i32
        %ne3A_426 = arith.cmpi ne, %rem3A_424, %ne3A_425 : i32
        %and3A_427 = arith.andi %ne3A_423, %ne3A_426 : i1
        %sub3A_428 = arith.constant 1 : i32
        %sub3A_429 = arith.subi %div3A_408, %sub3A_428 : i32
        %select_n3A_430 = arith.select %and3A_427, %sub3A_429, %div3A_408 : i32
        %jit3A_431 = arith.constant 8 : i32
        %eq3A_432 = arith.constant 0 : i32
        %eq3A_433 = arith.cmpi eq, %jit3A_431, %eq3A_432 : i32
        %jit3A_434 = arith.constant 1 : i32
        %select_n3A_435 = arith.select %eq3A_433, %jit3A_434, %jit3A_431 : i32
        %rem3A_436 = arith.remsi %add3A_406, %select_n3A_435 : i32
        %ne3A_437 = arith.constant 0 : i32
        %ne3A_438 = arith.cmpi ne, %rem3A_436, %ne3A_437 : i32
        %lt3A_439 = arith.constant 0 : i32
        %lt3A_440 = arith.cmpi slt, %rem3A_436, %lt3A_439 : i32
        %lt3A_441 = arith.constant 0 : i32
        %lt3A_442 = arith.cmpi slt, %select_n3A_435, %lt3A_441 : i32
        %ne3A_443 = arith.xori %lt3A_440, %lt3A_442 : i1
        %and3A_444 = arith.andi %ne3A_443, %ne3A_438 : i1
        %add3A_445 = arith.addi %rem3A_436, %select_n3A_435 : i32
        %select_n3A_446 = arith.select %and3A_444, %add3A_445, %rem3A_436 : i32
        %dma_start3A_447 = arith.constant 0 : i32
        %dma_start3A_448 = tpu.memref_slice %arg12[%select_n3A_430, %select_n3A_446, %dma_start3A_447] : memref<25x8x128xi32, #tpu.memory_space<vmem>> -> memref<1x1x128xi32, #tpu.memory_space<vmem>>
        %dma_start3A_449 = tpu.memref_squeeze %dma_start3A_448 : memref<1x1x128xi32, #tpu.memory_space<vmem>> -> memref<128xi32, #tpu.memory_space<vmem>>
        %dma_start3A_450 = arith.constant 0 : i32
        %dma_start3A_451 = arith.constant 0 : i32
        %dma_start3A_452 = tpu.memref_slice %arg5[%dma_start3A_450, %dma_start3A_451] : memref<1000000x128xf32, #tpu.memory_space<hbm>> -> memref<1000000x128xf32, #tpu.memory_space<hbm>>
        tpu.enqueue_indirect_dma source(%dma_start3A_452 : memref<1000000x128xf32, #tpu.memory_space<hbm>>) target(%arg14 : memref<128x128xf32, #tpu.memory_space<vmem>>) offsets(%dma_start3A_449 : memref<128xi32, #tpu.memory_space<vmem>>) semaphore(%arg18 : memref<!tpu.dma_semaphore, #tpu.memory_space<semaphore_mem>>)
      } else {
      }
      %dma_wait3A_331 = arith.constant 0 : i32
      %dma_wait3A_332 = arith.constant 0 : i32
      %dma_wait3A_333 = tpu.memref_slice %arg5[%dma_wait3A_331, %dma_wait3A_332] : memref<1000000x128xf32, #tpu.memory_space<hbm>> -> memref<1000000x128xf32, #tpu.memory_space<hbm>>
      tpu.wait_indirect_dma semaphore(%arg17 : memref<!tpu.dma_semaphore, #tpu.memory_space<semaphore_mem>>) src(%dma_wait3A_333 : memref<1000000x128xf32, #tpu.memory_space<hbm>>) dst(%arg13 : memref<128x128xf32, #tpu.memory_space<vmem>>)
      %ge3A = arith.constant 2 : i32
      %ge3A_334 = arith.cmpi sge, %add3A_325, %ge3A : i32
      %convert_element_type3A_335 = arith.extui %ge3A_334 : i1 to i32
      %cond3A_336 = arith.constant 0 : i32
      %cond3A_337 = arith.cmpi ne, %convert_element_type3A_335, %cond3A_336 : i32
      scf.if %cond3A_337 {
        %sub3A_405 = arith.constant 2 : i32
        %sub3A_406 = arith.subi %add3A_325, %sub3A_405 : i32
        %dma_wait3A_407 = arith.constant 0 : i32
        %dma_wait3A_408 = arith.constant 0 : i32
        %dma_wait3A_409 = arith.constant 0 : i32
        %dma_wait3A_410 = tpu.memref_slice %arg15[%dma_wait3A_407, %dma_wait3A_408, %dma_wait3A_409] : memref<8x8x136xf32, #tpu.memory_space<vmem>> -> memref<8x8x128xf32, #tpu.memory_space<vmem>>
        %dma_wait3A_411 = arith.constant 0 : i32
        %dma_wait3A_412 = arith.constant 0 : i32
        %dma_wait3A_413 = arith.constant 0 : i32
        %dma_wait3A_414 = tpu.memref_slice %arg9[%sub3A_406, %dma_wait3A_411, %add3A, %dma_wait3A_412, %dma_wait3A_413] : memref<200x8x32x8x128xf32, #tpu.memory_space<hbm>> -> memref<1x8x1x8x128xf32, #tpu.memory_space<hbm>>
        %dma_wait3A_415 = tpu.memref_squeeze %dma_wait3A_414 : memref<1x8x1x8x128xf32, #tpu.memory_space<hbm>> -> memref<8x8x128xf32, #tpu.memory_space<hbm>>
        %dma_wait3A_416 = arith.constant 0 : i32
        %dma_wait3A_417 = arith.constant 0 : i32
        %dma_wait3A_418 = arith.constant 0 : i32
        %dma_wait3A_419 = tpu.memref_slice %arg9[%sub3A_406, %dma_wait3A_416, %add3A, %dma_wait3A_417, %dma_wait3A_418] : memref<200x8x32x8x128xf32, #tpu.memory_space<hbm>> -> memref<1x8x1x8x128xf32, #tpu.memory_space<hbm>>
        %dma_wait3A_420 = tpu.memref_squeeze %dma_wait3A_419 : memref<1x8x1x8x128xf32, #tpu.memory_space<hbm>> -> memref<8x8x128xf32, #tpu.memory_space<hbm>>
        %dma_wait3A_421 = arith.constant 0 : i32
        %dma_wait3A_422 = arith.constant 0 : i32
        %dma_wait3A_423 = arith.constant 0 : i32
        %dma_wait3A_424 = tpu.memref_slice %arg15[%dma_wait3A_421, %dma_wait3A_422, %dma_wait3A_423] : memref<8x8x136xf32, #tpu.memory_space<vmem>> -> memref<8x8x128xf32, #tpu.memory_space<vmem>>
        tpu.wait_dma2 semaphore(%arg19 : memref<!tpu.dma_semaphore, #tpu.memory_space<semaphore_mem>>) src(%dma_wait3A_424 : memref<8x8x128xf32, #tpu.memory_space<vmem>>) dst(%dma_wait3A_420 : memref<8x8x128xf32, #tpu.memory_space<hbm>>)
      } else {
      }
      %scan3A_338 = arith.constant 0 : i32
      %scan3A_339 = arith.constant 0 : i32
      %scan3A_340 = arith.constant 128 : i32
      %scan3A_341 = arith.addi %scan3A_339, %scan3A_340 : i32
      %scan3A_342 = arith.constant 8 : i32
      scf.for %scan3A_405 = %scan3A_339 to %scan3A_341 step %scan3A_342  : i32 {
        %add3A_406 = vector.broadcast %scan3A_405 : i32 to vector<16xi32>
        %add3A_407 = arith.addi %broadcast_in_dim3A_269, %add3A_406 : vector<16xi32>
        %get3A = arith.index_cast %scan3A_405 : i32 to index
        %get3A_408 = arith.constant 0 : index
        %get3A_409 = tpu.vector_load %arg13[%get3A, %get3A_408] {strides = array<i32>} : memref<128x128xf32, #tpu.memory_space<vmem>>, vector<16xf32>,
        %get3A_410 = arith.index_cast %scan3A_405 : i32 to index
        %get3A_411 = arith.constant 16 : index
        %get3A_412 = tpu.vector_load %arg13[%get3A_410, %get3A_411] {strides = array<i32>} : memref<128x128xf32, #tpu.memory_space<vmem>>, vector<16xf32>,
        %get3A_413 = arith.index_cast %scan3A_405 : i32 to index
        %get3A_414 = arith.constant 32 : index
        %get3A_415 = tpu.vector_load %arg13[%get3A_413, %get3A_414] {strides = array<i32>} : memref<128x128xf32, #tpu.memory_space<vmem>>, vector<16xf32>,
        %get3A_416 = arith.index_cast %scan3A_405 : i32 to index
        %get3A_417 = arith.constant 48 : index
        %get3A_418 = tpu.vector_load %arg13[%get3A_416, %get3A_417] {strides = array<i32>} : memref<128x128xf32, #tpu.memory_space<vmem>>, vector<16xf32>,
        tpu.vector_store_idx %arg15[%select_n3A, %select_n3A_193, %add3A_407], %get3A_409 : memref<8x8x136xf32, #tpu.memory_space<vmem>>[vector<16xi32>, vector<16xi32>, vector<16xi32>], vector<16xf32>,
        tpu.vector_store_idx %arg15[%select_n3A_102, %select_n3A_218, %add3A_407], %get3A_412 : memref<8x8x136xf32, #tpu.memory_space<vmem>>[vector<16xi32>, vector<16xi32>, vector<16xi32>], vector<16xf32>,
        tpu.vector_store_idx %arg15[%select_n3A_136, %select_n3A_243, %add3A_407], %get3A_415 : memref<8x8x136xf32, #tpu.memory_space<vmem>>[vector<16xi32>, vector<16xi32>, vector<16xi32>], vector<16xf32>,
        tpu.vector_store_idx %arg15[%select_n3A_170, %select_n3A_268, %add3A_407], %get3A_418 : memref<8x8x136xf32, #tpu.memory_space<vmem>>[vector<16xi32>, vector<16xi32>, vector<16xi32>], vector<16xf32>,
        %scan3A_419 = arith.constant 1 : i32
        %scan3A_420 = arith.addi %scan3A_405, %scan3A_419 : i32
        %add3A_421 = vector.broadcast %scan3A_420 : i32 to vector<16xi32>
        %add3A_422 = arith.addi %broadcast_in_dim3A_269, %add3A_421 : vector<16xi32>
        %get3A_423 = arith.index_cast %scan3A_420 : i32 to index
        %get3A_424 = arith.constant 0 : index
        %get3A_425 = tpu.vector_load %arg13[%get3A_423, %get3A_424] {strides = array<i32>} : memref<128x128xf32, #tpu.memory_space<vmem>>, vector<16xf32>,
        %get3A_426 = arith.index_cast %scan3A_420 : i32 to index
        %get3A_427 = arith.constant 16 : index
        %get3A_428 = tpu.vector_load %arg13[%get3A_426, %get3A_427] {strides = array<i32>} : memref<128x128xf32, #tpu.memory_space<vmem>>, vector<16xf32>,
        %get3A_429 = arith.index_cast %scan3A_420 : i32 to index
        %get3A_430 = arith.constant 32 : index
        %get3A_431 = tpu.vector_load %arg13[%get3A_429, %get3A_430] {strides = array<i32>} : memref<128x128xf32, #tpu.memory_space<vmem>>, vector<16xf32>,
        %get3A_432 = arith.index_cast %scan3A_420 : i32 to index
        %get3A_433 = arith.constant 48 : index
        %get3A_434 = tpu.vector_load %arg13[%get3A_432, %get3A_433] {strides = array<i32>} : memref<128x128xf32, #tpu.memory_space<vmem>>, vector<16xf32>,
        tpu.vector_store_idx %arg15[%select_n3A, %select_n3A_193, %add3A_422], %get3A_425 : memref<8x8x136xf32, #tpu.memory_space<vmem>>[vector<16xi32>, vector<16xi32>, vector<16xi32>], vector<16xf32>,
        tpu.vector_store_idx %arg15[%select_n3A_102, %select_n3A_218, %add3A_422], %get3A_428 : memref<8x8x136xf32, #tpu.memory_space<vmem>>[vector<16xi32>, vector<16xi32>, vector<16xi32>], vector<16xf32>,
        tpu.vector_store_idx %arg15[%select_n3A_136, %select_n3A_243, %add3A_422], %get3A_431 : memref<8x8x136xf32, #tpu.memory_space<vmem>>[vector<16xi32>, vector<16xi32>, vector<16xi32>], vector<16xf32>,
        tpu.vector_store_idx %arg15[%select_n3A_170, %select_n3A_268, %add3A_422], %get3A_434 : memref<8x8x136xf32, #tpu.memory_space<vmem>>[vector<16xi32>, vector<16xi32>, vector<16xi32>], vector<16xf32>,
        %scan3A_435 = arith.constant 2 : i32
        %scan3A_436 = arith.addi %scan3A_405, %scan3A_435 : i32
        %add3A_437 = vector.broadcast %scan3A_436 : i32 to vector<16xi32>
        %add3A_438 = arith.addi %broadcast_in_dim3A_269, %add3A_437 : vector<16xi32>
        %get3A_439 = arith.index_cast %scan3A_436 : i32 to index
        %get3A_440 = arith.constant 0 : index
        %get3A_441 = tpu.vector_load %arg13[%get3A_439, %get3A_440] {strides = array<i32>} : memref<128x128xf32, #tpu.memory_space<vmem>>, vector<16xf32>,
        %get3A_442 = arith.index_cast %scan3A_436 : i32 to index
        %get3A_443 = arith.constant 16 : index
        %get3A_444 = tpu.vector_load %arg13[%get3A_442, %get3A_443] {strides = array<i32>} : memref<128x128xf32, #tpu.memory_space<vmem>>, vector<16xf32>,
        %get3A_445 = arith.index_cast %scan3A_436 : i32 to index
        %get3A_446 = arith.constant 32 : index
        %get3A_447 = tpu.vector_load %arg13[%get3A_445, %get3A_446] {strides = array<i32>} : memref<128x128xf32, #tpu.memory_space<vmem>>, vector<16xf32>,
        %get3A_448 = arith.index_cast %scan3A_436 : i32 to index
        %get3A_449 = arith.constant 48 : index
        %get3A_450 = tpu.vector_load %arg13[%get3A_448, %get3A_449] {strides = array<i32>} : memref<128x128xf32, #tpu.memory_space<vmem>>, vector<16xf32>,
        tpu.vector_store_idx %arg15[%select_n3A, %select_n3A_193, %add3A_438], %get3A_441 : memref<8x8x136xf32, #tpu.memory_space<vmem>>[vector<16xi32>, vector<16xi32>, vector<16xi32>], vector<16xf32>,
        tpu.vector_store_idx %arg15[%select_n3A_102, %select_n3A_218, %add3A_438], %get3A_444 : memref<8x8x136xf32, #tpu.memory_space<vmem>>[vector<16xi32>, vector<16xi32>, vector<16xi32>], vector<16xf32>,
        tpu.vector_store_idx %arg15[%select_n3A_136, %select_n3A_243, %add3A_438], %get3A_447 : memref<8x8x136xf32, #tpu.memory_space<vmem>>[vector<16xi32>, vector<16xi32>, vector<16xi32>], vector<16xf32>,
        tpu.vector_store_idx %arg15[%select_n3A_170, %select_n3A_268, %add3A_438], %get3A_450 : memref<8x8x136xf32, #tpu.memory_space<vmem>>[vector<16xi32>, vector<16xi32>, vector<16xi32>], vector<16xf32>,
        %scan3A_451 = arith.constant 3 : i32
        %scan3A_452 = arith.addi %scan3A_405, %scan3A_451 : i32
        %add3A_453 = vector.broadcast %scan3A_452 : i32 to vector<16xi32>
        %add3A_454 = arith.addi %broadcast_in_dim3A_269, %add3A_453 : vector<16xi32>
        %get3A_455 = arith.index_cast %scan3A_452 : i32 to index
        %get3A_456 = arith.constant 0 : index
        %get3A_457 = tpu.vector_load %arg13[%get3A_455, %get3A_456] {strides = array<i32>} : memref<128x128xf32, #tpu.memory_space<vmem>>, vector<16xf32>,
        %get3A_458 = arith.index_cast %scan3A_452 : i32 to index
        %get3A_459 = arith.constant 16 : index
        %get3A_460 = tpu.vector_load %arg13[%get3A_458, %get3A_459] {strides = array<i32>} : memref<128x128xf32, #tpu.memory_space<vmem>>, vector<16xf32>,
        %get3A_461 = arith.index_cast %scan3A_452 : i32 to index
        %get3A_462 = arith.constant 32 : index
        %get3A_463 = tpu.vector_load %arg13[%get3A_461, %get3A_462] {strides = array<i32>} : memref<128x128xf32, #tpu.memory_space<vmem>>, vector<16xf32>,
        %get3A_464 = arith.index_cast %scan3A_452 : i32 to index
        %get3A_465 = arith.constant 48 : index
        %get3A_466 = tpu.vector_load %arg13[%get3A_464, %get3A_465] {strides = array<i32>} : memref<128x128xf32, #tpu.memory_space<vmem>>, vector<16xf32>,
        tpu.vector_store_idx %arg15[%select_n3A, %select_n3A_193, %add3A_454], %get3A_457 : memref<8x8x136xf32, #tpu.memory_space<vmem>>[vector<16xi32>, vector<16xi32>, vector<16xi32>], vector<16xf32>,
        tpu.vector_store_idx %arg15[%select_n3A_102, %select_n3A_218, %add3A_454], %get3A_460 : memref<8x8x136xf32, #tpu.memory_space<vmem>>[vector<16xi32>, vector<16xi32>, vector<16xi32>], vector<16xf32>,
        tpu.vector_store_idx %arg15[%select_n3A_136, %select_n3A_243, %add3A_454], %get3A_463 : memref<8x8x136xf32, #tpu.memory_space<vmem>>[vector<16xi32>, vector<16xi32>, vector<16xi32>], vector<16xf32>,
        tpu.vector_store_idx %arg15[%select_n3A_170, %select_n3A_268, %add3A_454], %get3A_466 : memref<8x8x136xf32, #tpu.memory_space<vmem>>[vector<16xi32>, vector<16xi32>, vector<16xi32>], vector<16xf32>,
        %scan3A_467 = arith.constant 4 : i32
        %scan3A_468 = arith.addi %scan3A_405, %scan3A_467 : i32
        %add3A_469 = vector.broadcast %scan3A_468 : i32 to vector<16xi32>
        %add3A_470 = arith.addi %broadcast_in_dim3A_269, %add3A_469 : vector<16xi32>
        %get3A_471 = arith.index_cast %scan3A_468 : i32 to index
        %get3A_472 = arith.constant 0 : index
        %get3A_473 = tpu.vector_load %arg13[%get3A_471, %get3A_472] {strides = array<i32>} : memref<128x128xf32, #tpu.memory_space<vmem>>, vector<16xf32>,
        %get3A_474 = arith.index_cast %scan3A_468 : i32 to index
        %get3A_475 = arith.constant 16 : index
        %get3A_476 = tpu.vector_load %arg13[%get3A_474, %get3A_475] {strides = array<i32>} : memref<128x128xf32, #tpu.memory_space<vmem>>, vector<16xf32>,
        %get3A_477 = arith.index_cast %scan3A_468 : i32 to index
        %get3A_478 = arith.constant 32 : index
        %get3A_479 = tpu.vector_load %arg13[%get3A_477, %get3A_478] {strides = array<i32>} : memref<128x128xf32, #tpu.memory_space<vmem>>, vector<16xf32>,
        %get3A_480 = arith.index_cast %scan3A_468 : i32 to index
        %get3A_481 = arith.constant 48 : index
        %get3A_482 = tpu.vector_load %arg13[%get3A_480, %get3A_481] {strides = array<i32>} : memref<128x128xf32, #tpu.memory_space<vmem>>, vector<16xf32>,
        tpu.vector_store_idx %arg15[%select_n3A, %select_n3A_193, %add3A_470], %get3A_473 : memref<8x8x136xf32, #tpu.memory_space<vmem>>[vector<16xi32>, vector<16xi32>, vector<16xi32>], vector<16xf32>,
        tpu.vector_store_idx %arg15[%select_n3A_102, %select_n3A_218, %add3A_470], %get3A_476 : memref<8x8x136xf32, #tpu.memory_space<vmem>>[vector<16xi32>, vector<16xi32>, vector<16xi32>], vector<16xf32>,
        tpu.vector_store_idx %arg15[%select_n3A_136, %select_n3A_243, %add3A_470], %get3A_479 : memref<8x8x136xf32, #tpu.memory_space<vmem>>[vector<16xi32>, vector<16xi32>, vector<16xi32>], vector<16xf32>,
        tpu.vector_store_idx %arg15[%select_n3A_170, %select_n3A_268, %add3A_470], %get3A_482 : memref<8x8x136xf32, #tpu.memory_space<vmem>>[vector<16xi32>, vector<16xi32>, vector<16xi32>], vector<16xf32>,
        %scan3A_483 = arith.constant 5 : i32
        %scan3A_484 = arith.addi %scan3A_405, %scan3A_483 : i32
        %add3A_485 = vector.broadcast %scan3A_484 : i32 to vector<16xi32>
        %add3A_486 = arith.addi %broadcast_in_dim3A_269, %add3A_485 : vector<16xi32>
        %get3A_487 = arith.index_cast %scan3A_484 : i32 to index
        %get3A_488 = arith.constant 0 : index
        %get3A_489 = tpu.vector_load %arg13[%get3A_487, %get3A_488] {strides = array<i32>} : memref<128x128xf32, #tpu.memory_space<vmem>>, vector<16xf32>,
        %get3A_490 = arith.index_cast %scan3A_484 : i32 to index
        %get3A_491 = arith.constant 16 : index
        %get3A_492 = tpu.vector_load %arg13[%get3A_490, %get3A_491] {strides = array<i32>} : memref<128x128xf32, #tpu.memory_space<vmem>>, vector<16xf32>,
        %get3A_493 = arith.index_cast %scan3A_484 : i32 to index
        %get3A_494 = arith.constant 32 : index
        %get3A_495 = tpu.vector_load %arg13[%get3A_493, %get3A_494] {strides = array<i32>} : memref<128x128xf32, #tpu.memory_space<vmem>>, vector<16xf32>,
        %get3A_496 = arith.index_cast %scan3A_484 : i32 to index
        %get3A_497 = arith.constant 48 : index
        %get3A_498 = tpu.vector_load %arg13[%get3A_496, %get3A_497] {strides = array<i32>} : memref<128x128xf32, #tpu.memory_space<vmem>>, vector<16xf32>,
        tpu.vector_store_idx %arg15[%select_n3A, %select_n3A_193, %add3A_486], %get3A_489 : memref<8x8x136xf32, #tpu.memory_space<vmem>>[vector<16xi32>, vector<16xi32>, vector<16xi32>], vector<16xf32>,
        tpu.vector_store_idx %arg15[%select_n3A_102, %select_n3A_218, %add3A_486], %get3A_492 : memref<8x8x136xf32, #tpu.memory_space<vmem>>[vector<16xi32>, vector<16xi32>, vector<16xi32>], vector<16xf32>,
        tpu.vector_store_idx %arg15[%select_n3A_136, %select_n3A_243, %add3A_486], %get3A_495 : memref<8x8x136xf32, #tpu.memory_space<vmem>>[vector<16xi32>, vector<16xi32>, vector<16xi32>], vector<16xf32>,
        tpu.vector_store_idx %arg15[%select_n3A_170, %select_n3A_268, %add3A_486], %get3A_498 : memref<8x8x136xf32, #tpu.memory_space<vmem>>[vector<16xi32>, vector<16xi32>, vector<16xi32>], vector<16xf32>,
        %scan3A_499 = arith.constant 6 : i32
        %scan3A_500 = arith.addi %scan3A_405, %scan3A_499 : i32
        %add3A_501 = vector.broadcast %scan3A_500 : i32 to vector<16xi32>
        %add3A_502 = arith.addi %broadcast_in_dim3A_269, %add3A_501 : vector<16xi32>
        %get3A_503 = arith.index_cast %scan3A_500 : i32 to index
        %get3A_504 = arith.constant 0 : index
        %get3A_505 = tpu.vector_load %arg13[%get3A_503, %get3A_504] {strides = array<i32>} : memref<128x128xf32, #tpu.memory_space<vmem>>, vector<16xf32>,
        %get3A_506 = arith.index_cast %scan3A_500 : i32 to index
        %get3A_507 = arith.constant 16 : index
        %get3A_508 = tpu.vector_load %arg13[%get3A_506, %get3A_507] {strides = array<i32>} : memref<128x128xf32, #tpu.memory_space<vmem>>, vector<16xf32>,
        %get3A_509 = arith.index_cast %scan3A_500 : i32 to index
        %get3A_510 = arith.constant 32 : index
        %get3A_511 = tpu.vector_load %arg13[%get3A_509, %get3A_510] {strides = array<i32>} : memref<128x128xf32, #tpu.memory_space<vmem>>, vector<16xf32>,
        %get3A_512 = arith.index_cast %scan3A_500 : i32 to index
        %get3A_513 = arith.constant 48 : index
        %get3A_514 = tpu.vector_load %arg13[%get3A_512, %get3A_513] {strides = array<i32>} : memref<128x128xf32, #tpu.memory_space<vmem>>, vector<16xf32>,
        tpu.vector_store_idx %arg15[%select_n3A, %select_n3A_193, %add3A_502], %get3A_505 : memref<8x8x136xf32, #tpu.memory_space<vmem>>[vector<16xi32>, vector<16xi32>, vector<16xi32>], vector<16xf32>,
        tpu.vector_store_idx %arg15[%select_n3A_102, %select_n3A_218, %add3A_502], %get3A_508 : memref<8x8x136xf32, #tpu.memory_space<vmem>>[vector<16xi32>, vector<16xi32>, vector<16xi32>], vector<16xf32>,
        tpu.vector_store_idx %arg15[%select_n3A_136, %select_n3A_243, %add3A_502], %get3A_511 : memref<8x8x136xf32, #tpu.memory_space<vmem>>[vector<16xi32>, vector<16xi32>, vector<16xi32>], vector<16xf32>,
        tpu.vector_store_idx %arg15[%select_n3A_170, %select_n3A_268, %add3A_502], %get3A_514 : memref<8x8x136xf32, #tpu.memory_space<vmem>>[vector<16xi32>, vector<16xi32>, vector<16xi32>], vector<16xf32>,
        %scan3A_515 = arith.constant 7 : i32
        %scan3A_516 = arith.addi %scan3A_405, %scan3A_515 : i32
        %add3A_517 = vector.broadcast %scan3A_516 : i32 to vector<16xi32>
        %add3A_518 = arith.addi %broadcast_in_dim3A_269, %add3A_517 : vector<16xi32>
        %get3A_519 = arith.index_cast %scan3A_516 : i32 to index
        %get3A_520 = arith.constant 0 : index
        %get3A_521 = tpu.vector_load %arg13[%get3A_519, %get3A_520] {strides = array<i32>} : memref<128x128xf32, #tpu.memory_space<vmem>>, vector<16xf32>,
        %get3A_522 = arith.index_cast %scan3A_516 : i32 to index
        %get3A_523 = arith.constant 16 : index
        %get3A_524 = tpu.vector_load %arg13[%get3A_522, %get3A_523] {strides = array<i32>} : memref<128x128xf32, #tpu.memory_space<vmem>>, vector<16xf32>,
        %get3A_525 = arith.index_cast %scan3A_516 : i32 to index
        %get3A_526 = arith.constant 32 : index
        %get3A_527 = tpu.vector_load %arg13[%get3A_525, %get3A_526] {strides = array<i32>} : memref<128x128xf32, #tpu.memory_space<vmem>>, vector<16xf32>,
        %get3A_528 = arith.index_cast %scan3A_516 : i32 to index
        %get3A_529 = arith.constant 48 : index
        %get3A_530 = tpu.vector_load %arg13[%get3A_528, %get3A_529] {strides = array<i32>} : memref<128x128xf32, #tpu.memory_space<vmem>>, vector<16xf32>,
        tpu.vector_store_idx %arg15[%select_n3A, %select_n3A_193, %add3A_518], %get3A_521 : memref<8x8x136xf32, #tpu.memory_space<vmem>>[vector<16xi32>, vector<16xi32>, vector<16xi32>], vector<16xf32>,
        tpu.vector_store_idx %arg15[%select_n3A_102, %select_n3A_218, %add3A_518], %get3A_524 : memref<8x8x136xf32, #tpu.memory_space<vmem>>[vector<16xi32>, vector<16xi32>, vector<16xi32>], vector<16xf32>,
        tpu.vector_store_idx %arg15[%select_n3A_136, %select_n3A_243, %add3A_518], %get3A_527 : memref<8x8x136xf32, #tpu.memory_space<vmem>>[vector<16xi32>, vector<16xi32>, vector<16xi32>], vector<16xf32>,
        tpu.vector_store_idx %arg15[%select_n3A_170, %select_n3A_268, %add3A_518], %get3A_530 : memref<8x8x136xf32, #tpu.memory_space<vmem>>[vector<16xi32>, vector<16xi32>, vector<16xi32>], vector<16xf32>,
      }
      %scan3A_343 = arith.constant 128 : i32
      %dma_start3A_344 = arith.constant 0 : i32
      %dma_start3A_345 = arith.constant 0 : i32
      %dma_start3A_346 = arith.constant 0 : i32
      %dma_start3A_347 = tpu.memref_slice %arg15[%dma_start3A_344, %dma_start3A_345, %dma_start3A_346] : memref<8x8x136xf32, #tpu.memory_space<vmem>> -> memref<8x8x128xf32, #tpu.memory_space<vmem>>
      %dma_start3A_348 = arith.constant 0 : i32
      %dma_start3A_349 = arith.constant 0 : i32
      %dma_start3A_350 = arith.constant 0 : i32
      %dma_start3A_351 = tpu.memref_slice %arg9[%add3A_325, %dma_start3A_348, %add3A, %dma_start3A_349, %dma_start3A_350] : memref<200x8x32x8x128xf32, #tpu.memory_space<hbm>> -> memref<1x8x1x8x128xf32, #tpu.memory_space<hbm>>
      %dma_start3A_352 = tpu.memref_squeeze %dma_start3A_351 : memref<1x8x1x8x128xf32, #tpu.memory_space<hbm>> -> memref<8x8x128xf32, #tpu.memory_space<hbm>>
      %dma_start3A_353 = arith.constant 0 : i32
      %dma_start3A_354 = arith.constant 0 : i32
      %dma_start3A_355 = arith.constant 0 : i32
      %dma_start3A_356 = tpu.memref_slice %arg9[%add3A_325, %dma_start3A_353, %add3A, %dma_start3A_354, %dma_start3A_355] : memref<200x8x32x8x128xf32, #tpu.memory_space<hbm>> -> memref<1x8x1x8x128xf32, #tpu.memory_space<hbm>>
      %dma_start3A_357 = tpu.memref_squeeze %dma_start3A_356 : memref<1x8x1x8x128xf32, #tpu.memory_space<hbm>> -> memref<8x8x128xf32, #tpu.memory_space<hbm>>
      %dma_start3A_358 = arith.constant 0 : i32
      %dma_start3A_359 = arith.constant 0 : i32
      %dma_start3A_360 = arith.constant 0 : i32
      %dma_start3A_361 = tpu.memref_slice %arg15[%dma_start3A_358, %dma_start3A_359, %dma_start3A_360] : memref<8x8x136xf32, #tpu.memory_space<vmem>> -> memref<8x8x128xf32, #tpu.memory_space<vmem>>
      tpu.enqueue_dma source(%dma_start3A_361 : memref<8x8x128xf32, #tpu.memory_space<vmem>>) target(%dma_start3A_357 : memref<8x8x128xf32, #tpu.memory_space<hbm>>) target_semaphore(%arg19 : memref<!tpu.dma_semaphore, #tpu.memory_space<semaphore_mem>>)
      %mul3A_362 = arith.constant 2 : i32
      %mul3A_363 = arith.muli %mul3A_362, %scan3A_321 : i32
      %add3A_364 = arith.constant 1 : i32
      %add3A_365 = arith.addi %mul3A_363, %add3A_364 : i32
      %add3A_366 = arith.constant 1 : i32
      %add3A_367 = arith.addi %add3A_365, %add3A_366 : i32
      %lt3A_368 = arith.constant 200 : i32
      %lt3A_369 = arith.cmpi slt, %add3A_367, %lt3A_368 : i32
      %convert_element_type3A_370 = arith.extui %lt3A_369 : i1 to i32
      %cond3A_371 = arith.constant 0 : i32
      %cond3A_372 = arith.cmpi ne, %convert_element_type3A_370, %cond3A_371 : i32
      scf.if %cond3A_372 {
        %add3A_405 = arith.constant 1 : i32
        %add3A_406 = arith.addi %add3A_365, %add3A_405 : i32
        %jit3A_407 = arith.constant 8 : i32
        %div3A_408 = arith.divsi %add3A_406, %jit3A_407 : i32
        %sign3A_409 = arith.constant 0 : i32
        %sign3A_410 = arith.cmpi sgt, %add3A_406, %sign3A_409 : i32
        %sign3A_411 = arith.extui %sign3A_410 : i1 to i32
        %sign3A_412 = arith.constant 0 : i32
        %sign3A_413 = arith.cmpi slt, %add3A_406, %sign3A_412 : i32
        %sign3A_414 = arith.extui %sign3A_413 : i1 to i32
        %sign3A_415 = arith.subi %sign3A_411, %sign3A_414 : i32
        %sign3A_416 = arith.constant 0 : i32
        %sign3A_417 = arith.cmpi sgt, %jit3A_407, %sign3A_416 : i32
        %sign3A_418 = arith.extui %sign3A_417 : i1 to i32
        %sign3A_419 = arith.constant 0 : i32
        %sign3A_420 = arith.cmpi slt, %jit3A_407, %sign3A_419 : i32
        %sign3A_421 = arith.extui %sign3A_420 : i1 to i32
        %sign3A_422 = arith.subi %sign3A_418, %sign3A_421 : i32
        %ne3A_423 = arith.cmpi ne, %sign3A_415, %sign3A_422 : i32
        %rem3A_424 = arith.remsi %add3A_406, %jit3A_407 : i32
        %ne3A_425 = arith.constant 0 : i32
        %ne3A_426 = arith.cmpi ne, %rem3A_424, %ne3A_425 : i32
        %and3A_427 = arith.andi %ne3A_423, %ne3A_426 : i1
        %sub3A_428 = arith.constant 1 : i32
        %sub3A_429 = arith.subi %div3A_408, %sub3A_428 : i32
        %select_n3A_430 = arith.select %and3A_427, %sub3A_429, %div3A_408 : i32
        %jit3A_431 = arith.constant 8 : i32
        %eq3A_432 = arith.constant 0 : i32
        %eq3A_433 = arith.cmpi eq, %jit3A_431, %eq3A_432 : i32
        %jit3A_434 = arith.constant 1 : i32
        %select_n3A_435 = arith.select %eq3A_433, %jit3A_434, %jit3A_431 : i32
        %rem3A_436 = arith.remsi %add3A_406, %select_n3A_435 : i32
        %ne3A_437 = arith.constant 0 : i32
        %ne3A_438 = arith.cmpi ne, %rem3A_436, %ne3A_437 : i32
        %lt3A_439 = arith.constant 0 : i32
        %lt3A_440 = arith.cmpi slt, %rem3A_436, %lt3A_439 : i32
        %lt3A_441 = arith.constant 0 : i32
        %lt3A_442 = arith.cmpi slt, %select_n3A_435, %lt3A_441 : i32
        %ne3A_443 = arith.xori %lt3A_440, %lt3A_442 : i1
        %and3A_444 = arith.andi %ne3A_443, %ne3A_438 : i1
        %add3A_445 = arith.addi %rem3A_436, %select_n3A_435 : i32
        %select_n3A_446 = arith.select %and3A_444, %add3A_445, %rem3A_436 : i32
        %dma_start3A_447 = arith.constant 0 : i32
        %dma_start3A_448 = tpu.memref_slice %arg12[%select_n3A_430, %select_n3A_446, %dma_start3A_447] : memref<25x8x128xi32, #tpu.memory_space<vmem>> -> memref<1x1x128xi32, #tpu.memory_space<vmem>>
        %dma_start3A_449 = tpu.memref_squeeze %dma_start3A_448 : memref<1x1x128xi32, #tpu.memory_space<vmem>> -> memref<128xi32, #tpu.memory_space<vmem>>
        %dma_start3A_450 = arith.constant 0 : i32
        %dma_start3A_451 = arith.constant 0 : i32
        %dma_start3A_452 = tpu.memref_slice %arg5[%dma_start3A_450, %dma_start3A_451] : memref<1000000x128xf32, #tpu.memory_space<hbm>> -> memref<1000000x128xf32, #tpu.memory_space<hbm>>
        tpu.enqueue_indirect_dma source(%dma_start3A_452 : memref<1000000x128xf32, #tpu.memory_space<hbm>>) target(%arg13 : memref<128x128xf32, #tpu.memory_space<vmem>>) offsets(%dma_start3A_449 : memref<128xi32, #tpu.memory_space<vmem>>) semaphore(%arg17 : memref<!tpu.dma_semaphore, #tpu.memory_space<semaphore_mem>>)
      } else {
      }
      %dma_wait3A_373 = arith.constant 0 : i32
      %dma_wait3A_374 = arith.constant 0 : i32
      %dma_wait3A_375 = tpu.memref_slice %arg5[%dma_wait3A_373, %dma_wait3A_374] : memref<1000000x128xf32, #tpu.memory_space<hbm>> -> memref<1000000x128xf32, #tpu.memory_space<hbm>>
      tpu.wait_indirect_dma semaphore(%arg18 : memref<!tpu.dma_semaphore, #tpu.memory_space<semaphore_mem>>) src(%dma_wait3A_375 : memref<1000000x128xf32, #tpu.memory_space<hbm>>) dst(%arg14 : memref<128x128xf32, #tpu.memory_space<vmem>>)
      %ge3A_376 = arith.constant 2 : i32
      %ge3A_377 = arith.cmpi sge, %add3A_365, %ge3A_376 : i32
      %convert_element_type3A_378 = arith.extui %ge3A_377 : i1 to i32
      %cond3A_379 = arith.constant 0 : i32
      %cond3A_380 = arith.cmpi ne, %convert_element_type3A_378, %cond3A_379 : i32
      scf.if %cond3A_380 {
        %sub3A_405 = arith.constant 2 : i32
        %sub3A_406 = arith.subi %add3A_365, %sub3A_405 : i32
        %dma_wait3A_407 = arith.constant 0 : i32
        %dma_wait3A_408 = arith.constant 0 : i32
        %dma_wait3A_409 = arith.constant 0 : i32
        %dma_wait3A_410 = tpu.memref_slice %arg16[%dma_wait3A_407, %dma_wait3A_408, %dma_wait3A_409] : memref<8x8x136xf32, #tpu.memory_space<vmem>> -> memref<8x8x128xf32, #tpu.memory_space<vmem>>
        %dma_wait3A_411 = arith.constant 0 : i32
        %dma_wait3A_412 = arith.constant 0 : i32
        %dma_wait3A_413 = arith.constant 0 : i32
        %dma_wait3A_414 = tpu.memref_slice %arg9[%sub3A_406, %dma_wait3A_411, %add3A, %dma_wait3A_412, %dma_wait3A_413] : memref<200x8x32x8x128xf32, #tpu.memory_space<hbm>> -> memref<1x8x1x8x128xf32, #tpu.memory_space<hbm>>
        %dma_wait3A_415 = tpu.memref_squeeze %dma_wait3A_414 : memref<1x8x1x8x128xf32, #tpu.memory_space<hbm>> -> memref<8x8x128xf32, #tpu.memory_space<hbm>>
        %dma_wait3A_416 = arith.constant 0 : i32
        %dma_wait3A_417 = arith.constant 0 : i32
        %dma_wait3A_418 = arith.constant 0 : i32
        %dma_wait3A_419 = tpu.memref_slice %arg9[%sub3A_406, %dma_wait3A_416, %add3A, %dma_wait3A_417, %dma_wait3A_418] : memref<200x8x32x8x128xf32, #tpu.memory_space<hbm>> -> memref<1x8x1x8x128xf32, #tpu.memory_space<hbm>>
        %dma_wait3A_420 = tpu.memref_squeeze %dma_wait3A_419 : memref<1x8x1x8x128xf32, #tpu.memory_space<hbm>> -> memref<8x8x128xf32, #tpu.memory_space<hbm>>
        %dma_wait3A_421 = arith.constant 0 : i32
        %dma_wait3A_422 = arith.constant 0 : i32
        %dma_wait3A_423 = arith.constant 0 : i32
        %dma_wait3A_424 = tpu.memref_slice %arg16[%dma_wait3A_421, %dma_wait3A_422, %dma_wait3A_423] : memref<8x8x136xf32, #tpu.memory_space<vmem>> -> memref<8x8x128xf32, #tpu.memory_space<vmem>>
        tpu.wait_dma2 semaphore(%arg20 : memref<!tpu.dma_semaphore, #tpu.memory_space<semaphore_mem>>) src(%dma_wait3A_424 : memref<8x8x128xf32, #tpu.memory_space<vmem>>) dst(%dma_wait3A_420 : memref<8x8x128xf32, #tpu.memory_space<hbm>>)
      } else {
      }
      %scan3A_381 = arith.constant 0 : i32
      %scan3A_382 = arith.constant 0 : i32
      %scan3A_383 = arith.constant 128 : i32
      %scan3A_384 = arith.addi %scan3A_382, %scan3A_383 : i32
      %scan3A_385 = arith.constant 8 : i32
      scf.for %scan3A_405 = %scan3A_382 to %scan3A_384 step %scan3A_385  : i32 {
        %add3A_406 = vector.broadcast %scan3A_405 : i32 to vector<16xi32>
        %add3A_407 = arith.addi %broadcast_in_dim3A_269, %add3A_406 : vector<16xi32>
        %get3A = arith.index_cast %scan3A_405 : i32 to index
        %get3A_408 = arith.constant 0 : index
        %get3A_409 = tpu.vector_load %arg14[%get3A, %get3A_408] {strides = array<i32>} : memref<128x128xf32, #tpu.memory_space<vmem>>, vector<16xf32>,
        %get3A_410 = arith.index_cast %scan3A_405 : i32 to index
        %get3A_411 = arith.constant 16 : index
        %get3A_412 = tpu.vector_load %arg14[%get3A_410, %get3A_411] {strides = array<i32>} : memref<128x128xf32, #tpu.memory_space<vmem>>, vector<16xf32>,
        %get3A_413 = arith.index_cast %scan3A_405 : i32 to index
        %get3A_414 = arith.constant 32 : index
        %get3A_415 = tpu.vector_load %arg14[%get3A_413, %get3A_414] {strides = array<i32>} : memref<128x128xf32, #tpu.memory_space<vmem>>, vector<16xf32>,
        %get3A_416 = arith.index_cast %scan3A_405 : i32 to index
        %get3A_417 = arith.constant 48 : index
        %get3A_418 = tpu.vector_load %arg14[%get3A_416, %get3A_417] {strides = array<i32>} : memref<128x128xf32, #tpu.memory_space<vmem>>, vector<16xf32>,
        tpu.vector_store_idx %arg16[%select_n3A, %select_n3A_193, %add3A_407], %get3A_409 : memref<8x8x136xf32, #tpu.memory_space<vmem>>[vector<16xi32>, vector<16xi32>, vector<16xi32>], vector<16xf32>,
        tpu.vector_store_idx %arg16[%select_n3A_102, %select_n3A_218, %add3A_407], %get3A_412 : memref<8x8x136xf32, #tpu.memory_space<vmem>>[vector<16xi32>, vector<16xi32>, vector<16xi32>], vector<16xf32>,
        tpu.vector_store_idx %arg16[%select_n3A_136, %select_n3A_243, %add3A_407], %get3A_415 : memref<8x8x136xf32, #tpu.memory_space<vmem>>[vector<16xi32>, vector<16xi32>, vector<16xi32>], vector<16xf32>,
        tpu.vector_store_idx %arg16[%select_n3A_170, %select_n3A_268, %add3A_407], %get3A_418 : memref<8x8x136xf32, #tpu.memory_space<vmem>>[vector<16xi32>, vector<16xi32>, vector<16xi32>], vector<16xf32>,
        %scan3A_419 = arith.constant 1 : i32
        %scan3A_420 = arith.addi %scan3A_405, %scan3A_419 : i32
        %add3A_421 = vector.broadcast %scan3A_420 : i32 to vector<16xi32>
        %add3A_422 = arith.addi %broadcast_in_dim3A_269, %add3A_421 : vector<16xi32>
        %get3A_423 = arith.index_cast %scan3A_420 : i32 to index
        %get3A_424 = arith.constant 0 : index
        %get3A_425 = tpu.vector_load %arg14[%get3A_423, %get3A_424] {strides = array<i32>} : memref<128x128xf32, #tpu.memory_space<vmem>>, vector<16xf32>,
        %get3A_426 = arith.index_cast %scan3A_420 : i32 to index
        %get3A_427 = arith.constant 16 : index
        %get3A_428 = tpu.vector_load %arg14[%get3A_426, %get3A_427] {strides = array<i32>} : memref<128x128xf32, #tpu.memory_space<vmem>>, vector<16xf32>,
        %get3A_429 = arith.index_cast %scan3A_420 : i32 to index
        %get3A_430 = arith.constant 32 : index
        %get3A_431 = tpu.vector_load %arg14[%get3A_429, %get3A_430] {strides = array<i32>} : memref<128x128xf32, #tpu.memory_space<vmem>>, vector<16xf32>,
        %get3A_432 = arith.index_cast %scan3A_420 : i32 to index
        %get3A_433 = arith.constant 48 : index
        %get3A_434 = tpu.vector_load %arg14[%get3A_432, %get3A_433] {strides = array<i32>} : memref<128x128xf32, #tpu.memory_space<vmem>>, vector<16xf32>,
        tpu.vector_store_idx %arg16[%select_n3A, %select_n3A_193, %add3A_422], %get3A_425 : memref<8x8x136xf32, #tpu.memory_space<vmem>>[vector<16xi32>, vector<16xi32>, vector<16xi32>], vector<16xf32>,
        tpu.vector_store_idx %arg16[%select_n3A_102, %select_n3A_218, %add3A_422], %get3A_428 : memref<8x8x136xf32, #tpu.memory_space<vmem>>[vector<16xi32>, vector<16xi32>, vector<16xi32>], vector<16xf32>,
        tpu.vector_store_idx %arg16[%select_n3A_136, %select_n3A_243, %add3A_422], %get3A_431 : memref<8x8x136xf32, #tpu.memory_space<vmem>>[vector<16xi32>, vector<16xi32>, vector<16xi32>], vector<16xf32>,
        tpu.vector_store_idx %arg16[%select_n3A_170, %select_n3A_268, %add3A_422], %get3A_434 : memref<8x8x136xf32, #tpu.memory_space<vmem>>[vector<16xi32>, vector<16xi32>, vector<16xi32>], vector<16xf32>,
        %scan3A_435 = arith.constant 2 : i32
        %scan3A_436 = arith.addi %scan3A_405, %scan3A_435 : i32
        %add3A_437 = vector.broadcast %scan3A_436 : i32 to vector<16xi32>
        %add3A_438 = arith.addi %broadcast_in_dim3A_269, %add3A_437 : vector<16xi32>
        %get3A_439 = arith.index_cast %scan3A_436 : i32 to index
        %get3A_440 = arith.constant 0 : index
        %get3A_441 = tpu.vector_load %arg14[%get3A_439, %get3A_440] {strides = array<i32>} : memref<128x128xf32, #tpu.memory_space<vmem>>, vector<16xf32>,
        %get3A_442 = arith.index_cast %scan3A_436 : i32 to index
        %get3A_443 = arith.constant 16 : index
        %get3A_444 = tpu.vector_load %arg14[%get3A_442, %get3A_443] {strides = array<i32>} : memref<128x128xf32, #tpu.memory_space<vmem>>, vector<16xf32>,
        %get3A_445 = arith.index_cast %scan3A_436 : i32 to index
        %get3A_446 = arith.constant 32 : index
        %get3A_447 = tpu.vector_load %arg14[%get3A_445, %get3A_446] {strides = array<i32>} : memref<128x128xf32, #tpu.memory_space<vmem>>, vector<16xf32>,
        %get3A_448 = arith.index_cast %scan3A_436 : i32 to index
        %get3A_449 = arith.constant 48 : index
        %get3A_450 = tpu.vector_load %arg14[%get3A_448, %get3A_449] {strides = array<i32>} : memref<128x128xf32, #tpu.memory_space<vmem>>, vector<16xf32>,
        tpu.vector_store_idx %arg16[%select_n3A, %select_n3A_193, %add3A_438], %get3A_441 : memref<8x8x136xf32, #tpu.memory_space<vmem>>[vector<16xi32>, vector<16xi32>, vector<16xi32>], vector<16xf32>,
        tpu.vector_store_idx %arg16[%select_n3A_102, %select_n3A_218, %add3A_438], %get3A_444 : memref<8x8x136xf32, #tpu.memory_space<vmem>>[vector<16xi32>, vector<16xi32>, vector<16xi32>], vector<16xf32>,
        tpu.vector_store_idx %arg16[%select_n3A_136, %select_n3A_243, %add3A_438], %get3A_447 : memref<8x8x136xf32, #tpu.memory_space<vmem>>[vector<16xi32>, vector<16xi32>, vector<16xi32>], vector<16xf32>,
        tpu.vector_store_idx %arg16[%select_n3A_170, %select_n3A_268, %add3A_438], %get3A_450 : memref<8x8x136xf32, #tpu.memory_space<vmem>>[vector<16xi32>, vector<16xi32>, vector<16xi32>], vector<16xf32>,
        %scan3A_451 = arith.constant 3 : i32
        %scan3A_452 = arith.addi %scan3A_405, %scan3A_451 : i32
        %add3A_453 = vector.broadcast %scan3A_452 : i32 to vector<16xi32>
        %add3A_454 = arith.addi %broadcast_in_dim3A_269, %add3A_453 : vector<16xi32>
        %get3A_455 = arith.index_cast %scan3A_452 : i32 to index
        %get3A_456 = arith.constant 0 : index
        %get3A_457 = tpu.vector_load %arg14[%get3A_455, %get3A_456] {strides = array<i32>} : memref<128x128xf32, #tpu.memory_space<vmem>>, vector<16xf32>,
        %get3A_458 = arith.index_cast %scan3A_452 : i32 to index
        %get3A_459 = arith.constant 16 : index
        %get3A_460 = tpu.vector_load %arg14[%get3A_458, %get3A_459] {strides = array<i32>} : memref<128x128xf32, #tpu.memory_space<vmem>>, vector<16xf32>,
        %get3A_461 = arith.index_cast %scan3A_452 : i32 to index
        %get3A_462 = arith.constant 32 : index
        %get3A_463 = tpu.vector_load %arg14[%get3A_461, %get3A_462] {strides = array<i32>} : memref<128x128xf32, #tpu.memory_space<vmem>>, vector<16xf32>,
        %get3A_464 = arith.index_cast %scan3A_452 : i32 to index
        %get3A_465 = arith.constant 48 : index
        %get3A_466 = tpu.vector_load %arg14[%get3A_464, %get3A_465] {strides = array<i32>} : memref<128x128xf32, #tpu.memory_space<vmem>>, vector<16xf32>,
        tpu.vector_store_idx %arg16[%select_n3A, %select_n3A_193, %add3A_454], %get3A_457 : memref<8x8x136xf32, #tpu.memory_space<vmem>>[vector<16xi32>, vector<16xi32>, vector<16xi32>], vector<16xf32>,
        tpu.vector_store_idx %arg16[%select_n3A_102, %select_n3A_218, %add3A_454], %get3A_460 : memref<8x8x136xf32, #tpu.memory_space<vmem>>[vector<16xi32>, vector<16xi32>, vector<16xi32>], vector<16xf32>,
        tpu.vector_store_idx %arg16[%select_n3A_136, %select_n3A_243, %add3A_454], %get3A_463 : memref<8x8x136xf32, #tpu.memory_space<vmem>>[vector<16xi32>, vector<16xi32>, vector<16xi32>], vector<16xf32>,
        tpu.vector_store_idx %arg16[%select_n3A_170, %select_n3A_268, %add3A_454], %get3A_466 : memref<8x8x136xf32, #tpu.memory_space<vmem>>[vector<16xi32>, vector<16xi32>, vector<16xi32>], vector<16xf32>,
        %scan3A_467 = arith.constant 4 : i32
        %scan3A_468 = arith.addi %scan3A_405, %scan3A_467 : i32
        %add3A_469 = vector.broadcast %scan3A_468 : i32 to vector<16xi32>
        %add3A_470 = arith.addi %broadcast_in_dim3A_269, %add3A_469 : vector<16xi32>
        %get3A_471 = arith.index_cast %scan3A_468 : i32 to index
        %get3A_472 = arith.constant 0 : index
        %get3A_473 = tpu.vector_load %arg14[%get3A_471, %get3A_472] {strides = array<i32>} : memref<128x128xf32, #tpu.memory_space<vmem>>, vector<16xf32>,
        %get3A_474 = arith.index_cast %scan3A_468 : i32 to index
        %get3A_475 = arith.constant 16 : index
        %get3A_476 = tpu.vector_load %arg14[%get3A_474, %get3A_475] {strides = array<i32>} : memref<128x128xf32, #tpu.memory_space<vmem>>, vector<16xf32>,
        %get3A_477 = arith.index_cast %scan3A_468 : i32 to index
        %get3A_478 = arith.constant 32 : index
        %get3A_479 = tpu.vector_load %arg14[%get3A_477, %get3A_478] {strides = array<i32>} : memref<128x128xf32, #tpu.memory_space<vmem>>, vector<16xf32>,
        %get3A_480 = arith.index_cast %scan3A_468 : i32 to index
        %get3A_481 = arith.constant 48 : index
        %get3A_482 = tpu.vector_load %arg14[%get3A_480, %get3A_481] {strides = array<i32>} : memref<128x128xf32, #tpu.memory_space<vmem>>, vector<16xf32>,
        tpu.vector_store_idx %arg16[%select_n3A, %select_n3A_193, %add3A_470], %get3A_473 : memref<8x8x136xf32, #tpu.memory_space<vmem>>[vector<16xi32>, vector<16xi32>, vector<16xi32>], vector<16xf32>,
        tpu.vector_store_idx %arg16[%select_n3A_102, %select_n3A_218, %add3A_470], %get3A_476 : memref<8x8x136xf32, #tpu.memory_space<vmem>>[vector<16xi32>, vector<16xi32>, vector<16xi32>], vector<16xf32>,
        tpu.vector_store_idx %arg16[%select_n3A_136, %select_n3A_243, %add3A_470], %get3A_479 : memref<8x8x136xf32, #tpu.memory_space<vmem>>[vector<16xi32>, vector<16xi32>, vector<16xi32>], vector<16xf32>,
        tpu.vector_store_idx %arg16[%select_n3A_170, %select_n3A_268, %add3A_470], %get3A_482 : memref<8x8x136xf32, #tpu.memory_space<vmem>>[vector<16xi32>, vector<16xi32>, vector<16xi32>], vector<16xf32>,
        %scan3A_483 = arith.constant 5 : i32
        %scan3A_484 = arith.addi %scan3A_405, %scan3A_483 : i32
        %add3A_485 = vector.broadcast %scan3A_484 : i32 to vector<16xi32>
        %add3A_486 = arith.addi %broadcast_in_dim3A_269, %add3A_485 : vector<16xi32>
        %get3A_487 = arith.index_cast %scan3A_484 : i32 to index
        %get3A_488 = arith.constant 0 : index
        %get3A_489 = tpu.vector_load %arg14[%get3A_487, %get3A_488] {strides = array<i32>} : memref<128x128xf32, #tpu.memory_space<vmem>>, vector<16xf32>,
        %get3A_490 = arith.index_cast %scan3A_484 : i32 to index
        %get3A_491 = arith.constant 16 : index
        %get3A_492 = tpu.vector_load %arg14[%get3A_490, %get3A_491] {strides = array<i32>} : memref<128x128xf32, #tpu.memory_space<vmem>>, vector<16xf32>,
        %get3A_493 = arith.index_cast %scan3A_484 : i32 to index
        %get3A_494 = arith.constant 32 : index
        %get3A_495 = tpu.vector_load %arg14[%get3A_493, %get3A_494] {strides = array<i32>} : memref<128x128xf32, #tpu.memory_space<vmem>>, vector<16xf32>,
        %get3A_496 = arith.index_cast %scan3A_484 : i32 to index
        %get3A_497 = arith.constant 48 : index
        %get3A_498 = tpu.vector_load %arg14[%get3A_496, %get3A_497] {strides = array<i32>} : memref<128x128xf32, #tpu.memory_space<vmem>>, vector<16xf32>,
        tpu.vector_store_idx %arg16[%select_n3A, %select_n3A_193, %add3A_486], %get3A_489 : memref<8x8x136xf32, #tpu.memory_space<vmem>>[vector<16xi32>, vector<16xi32>, vector<16xi32>], vector<16xf32>,
        tpu.vector_store_idx %arg16[%select_n3A_102, %select_n3A_218, %add3A_486], %get3A_492 : memref<8x8x136xf32, #tpu.memory_space<vmem>>[vector<16xi32>, vector<16xi32>, vector<16xi32>], vector<16xf32>,
        tpu.vector_store_idx %arg16[%select_n3A_136, %select_n3A_243, %add3A_486], %get3A_495 : memref<8x8x136xf32, #tpu.memory_space<vmem>>[vector<16xi32>, vector<16xi32>, vector<16xi32>], vector<16xf32>,
        tpu.vector_store_idx %arg16[%select_n3A_170, %select_n3A_268, %add3A_486], %get3A_498 : memref<8x8x136xf32, #tpu.memory_space<vmem>>[vector<16xi32>, vector<16xi32>, vector<16xi32>], vector<16xf32>,
        %scan3A_499 = arith.constant 6 : i32
        %scan3A_500 = arith.addi %scan3A_405, %scan3A_499 : i32
        %add3A_501 = vector.broadcast %scan3A_500 : i32 to vector<16xi32>
        %add3A_502 = arith.addi %broadcast_in_dim3A_269, %add3A_501 : vector<16xi32>
        %get3A_503 = arith.index_cast %scan3A_500 : i32 to index
        %get3A_504 = arith.constant 0 : index
        %get3A_505 = tpu.vector_load %arg14[%get3A_503, %get3A_504] {strides = array<i32>} : memref<128x128xf32, #tpu.memory_space<vmem>>, vector<16xf32>,
        %get3A_506 = arith.index_cast %scan3A_500 : i32 to index
        %get3A_507 = arith.constant 16 : index
        %get3A_508 = tpu.vector_load %arg14[%get3A_506, %get3A_507] {strides = array<i32>} : memref<128x128xf32, #tpu.memory_space<vmem>>, vector<16xf32>,
        %get3A_509 = arith.index_cast %scan3A_500 : i32 to index
        %get3A_510 = arith.constant 32 : index
        %get3A_511 = tpu.vector_load %arg14[%get3A_509, %get3A_510] {strides = array<i32>} : memref<128x128xf32, #tpu.memory_space<vmem>>, vector<16xf32>,
        %get3A_512 = arith.index_cast %scan3A_500 : i32 to index
        %get3A_513 = arith.constant 48 : index
        %get3A_514 = tpu.vector_load %arg14[%get3A_512, %get3A_513] {strides = array<i32>} : memref<128x128xf32, #tpu.memory_space<vmem>>, vector<16xf32>,
        tpu.vector_store_idx %arg16[%select_n3A, %select_n3A_193, %add3A_502], %get3A_505 : memref<8x8x136xf32, #tpu.memory_space<vmem>>[vector<16xi32>, vector<16xi32>, vector<16xi32>], vector<16xf32>,
        tpu.vector_store_idx %arg16[%select_n3A_102, %select_n3A_218, %add3A_502], %get3A_508 : memref<8x8x136xf32, #tpu.memory_space<vmem>>[vector<16xi32>, vector<16xi32>, vector<16xi32>], vector<16xf32>,
        tpu.vector_store_idx %arg16[%select_n3A_136, %select_n3A_243, %add3A_502], %get3A_511 : memref<8x8x136xf32, #tpu.memory_space<vmem>>[vector<16xi32>, vector<16xi32>, vector<16xi32>], vector<16xf32>,
        tpu.vector_store_idx %arg16[%select_n3A_170, %select_n3A_268, %add3A_502], %get3A_514 : memref<8x8x136xf32, #tpu.memory_space<vmem>>[vector<16xi32>, vector<16xi32>, vector<16xi32>], vector<16xf32>,
        %scan3A_515 = arith.constant 7 : i32
        %scan3A_516 = arith.addi %scan3A_405, %scan3A_515 : i32
        %add3A_517 = vector.broadcast %scan3A_516 : i32 to vector<16xi32>
        %add3A_518 = arith.addi %broadcast_in_dim3A_269, %add3A_517 : vector<16xi32>
        %get3A_519 = arith.index_cast %scan3A_516 : i32 to index
        %get3A_520 = arith.constant 0 : index
        %get3A_521 = tpu.vector_load %arg14[%get3A_519, %get3A_520] {strides = array<i32>} : memref<128x128xf32, #tpu.memory_space<vmem>>, vector<16xf32>,
        %get3A_522 = arith.index_cast %scan3A_516 : i32 to index
        %get3A_523 = arith.constant 16 : index
        %get3A_524 = tpu.vector_load %arg14[%get3A_522, %get3A_523] {strides = array<i32>} : memref<128x128xf32, #tpu.memory_space<vmem>>, vector<16xf32>,
        %get3A_525 = arith.index_cast %scan3A_516 : i32 to index
        %get3A_526 = arith.constant 32 : index
        %get3A_527 = tpu.vector_load %arg14[%get3A_525, %get3A_526] {strides = array<i32>} : memref<128x128xf32, #tpu.memory_space<vmem>>, vector<16xf32>,
        %get3A_528 = arith.index_cast %scan3A_516 : i32 to index
        %get3A_529 = arith.constant 48 : index
        %get3A_530 = tpu.vector_load %arg14[%get3A_528, %get3A_529] {strides = array<i32>} : memref<128x128xf32, #tpu.memory_space<vmem>>, vector<16xf32>,
        tpu.vector_store_idx %arg16[%select_n3A, %select_n3A_193, %add3A_518], %get3A_521 : memref<8x8x136xf32, #tpu.memory_space<vmem>>[vector<16xi32>, vector<16xi32>, vector<16xi32>], vector<16xf32>,
        tpu.vector_store_idx %arg16[%select_n3A_102, %select_n3A_218, %add3A_518], %get3A_524 : memref<8x8x136xf32, #tpu.memory_space<vmem>>[vector<16xi32>, vector<16xi32>, vector<16xi32>], vector<16xf32>,
        tpu.vector_store_idx %arg16[%select_n3A_136, %select_n3A_243, %add3A_518], %get3A_527 : memref<8x8x136xf32, #tpu.memory_space<vmem>>[vector<16xi32>, vector<16xi32>, vector<16xi32>], vector<16xf32>,
        tpu.vector_store_idx %arg16[%select_n3A_170, %select_n3A_268, %add3A_518], %get3A_530 : memref<8x8x136xf32, #tpu.memory_space<vmem>>[vector<16xi32>, vector<16xi32>, vector<16xi32>], vector<16xf32>,
      }
      %scan3A_386 = arith.constant 128 : i32
      %dma_start3A_387 = arith.constant 0 : i32
      %dma_start3A_388 = arith.constant 0 : i32
      %dma_start3A_389 = arith.constant 0 : i32
      %dma_start3A_390 = tpu.memref_slice %arg16[%dma_start3A_387, %dma_start3A_388, %dma_start3A_389] : memref<8x8x136xf32, #tpu.memory_space<vmem>> -> memref<8x8x128xf32, #tpu.memory_space<vmem>>
      %dma_start3A_391 = arith.constant 0 : i32
      %dma_start3A_392 = arith.constant 0 : i32
      %dma_start3A_393 = arith.constant 0 : i32
      %dma_start3A_394 = tpu.memref_slice %arg9[%add3A_365, %dma_start3A_391, %add3A, %dma_start3A_392, %dma_start3A_393] : memref<200x8x32x8x128xf32, #tpu.memory_space<hbm>> -> memref<1x8x1x8x128xf32, #tpu.memory_space<hbm>>
      %dma_start3A_395 = tpu.memref_squeeze %dma_start3A_394 : memref<1x8x1x8x128xf32, #tpu.memory_space<hbm>> -> memref<8x8x128xf32, #tpu.memory_space<hbm>>
      %dma_start3A_396 = arith.constant 0 : i32
      %dma_start3A_397 = arith.constant 0 : i32
      %dma_start3A_398 = arith.constant 0 : i32
      %dma_start3A_399 = tpu.memref_slice %arg9[%add3A_365, %dma_start3A_396, %add3A, %dma_start3A_397, %dma_start3A_398] : memref<200x8x32x8x128xf32, #tpu.memory_space<hbm>> -> memref<1x8x1x8x128xf32, #tpu.memory_space<hbm>>
      %dma_start3A_400 = tpu.memref_squeeze %dma_start3A_399 : memref<1x8x1x8x128xf32, #tpu.memory_space<hbm>> -> memref<8x8x128xf32, #tpu.memory_space<hbm>>
      %dma_start3A_401 = arith.constant 0 : i32
      %dma_start3A_402 = arith.constant 0 : i32
      %dma_start3A_403 = arith.constant 0 : i32
      %dma_start3A_404 = tpu.memref_slice %arg16[%dma_start3A_401, %dma_start3A_402, %dma_start3A_403] : memref<8x8x136xf32, #tpu.memory_space<vmem>> -> memref<8x8x128xf32, #tpu.memory_space<vmem>>
      tpu.enqueue_dma source(%dma_start3A_404 : memref<8x8x128xf32, #tpu.memory_space<vmem>>) target(%dma_start3A_400 : memref<8x8x128xf32, #tpu.memory_space<hbm>>) target_semaphore(%arg20 : memref<!tpu.dma_semaphore, #tpu.memory_space<semaphore_mem>>)
    }
    %scan3A_282 = arith.constant 100 : i32
    %dma_wait3A_283 = arith.constant 198 : i32
    %dma_wait3A_284 = arith.constant 0 : i32
    %dma_wait3A_285 = arith.constant 0 : i32
    %dma_wait3A_286 = arith.constant 0 : i32
    %dma_wait3A_287 = tpu.memref_slice %arg15[%dma_wait3A_284, %dma_wait3A_285, %dma_wait3A_286] : memref<8x8x136xf32, #tpu.memory_space<vmem>> -> memref<8x8x128xf32, #tpu.memory_space<vmem>>
    %dma_wait3A_288 = arith.constant 0 : i32
    %dma_wait3A_289 = arith.constant 0 : i32
    %dma_wait3A_290 = arith.constant 0 : i32
    %dma_wait3A_291 = tpu.memref_slice %arg9[%dma_wait3A_283, %dma_wait3A_288, %add3A, %dma_wait3A_289, %dma_wait3A_290] : memref<200x8x32x8x128xf32, #tpu.memory_space<hbm>> -> memref<1x8x1x8x128xf32, #tpu.memory_space<hbm>>
    %dma_wait3A_292 = tpu.memref_squeeze %dma_wait3A_291 : memref<1x8x1x8x128xf32, #tpu.memory_space<hbm>> -> memref<8x8x128xf32, #tpu.memory_space<hbm>>
    %dma_wait3A_293 = arith.constant 0 : i32
    %dma_wait3A_294 = arith.constant 0 : i32
    %dma_wait3A_295 = arith.constant 0 : i32
    %dma_wait3A_296 = tpu.memref_slice %arg9[%dma_wait3A_283, %dma_wait3A_293, %add3A, %dma_wait3A_294, %dma_wait3A_295] : memref<200x8x32x8x128xf32, #tpu.memory_space<hbm>> -> memref<1x8x1x8x128xf32, #tpu.memory_space<hbm>>
    %dma_wait3A_297 = tpu.memref_squeeze %dma_wait3A_296 : memref<1x8x1x8x128xf32, #tpu.memory_space<hbm>> -> memref<8x8x128xf32, #tpu.memory_space<hbm>>
    %dma_wait3A_298 = arith.constant 0 : i32
    %dma_wait3A_299 = arith.constant 0 : i32
    %dma_wait3A_300 = arith.constant 0 : i32
    %dma_wait3A_301 = tpu.memref_slice %arg15[%dma_wait3A_298, %dma_wait3A_299, %dma_wait3A_300] : memref<8x8x136xf32, #tpu.memory_space<vmem>> -> memref<8x8x128xf32, #tpu.memory_space<vmem>>
    tpu.wait_dma2 semaphore(%arg19 : memref<!tpu.dma_semaphore, #tpu.memory_space<semaphore_mem>>) src(%dma_wait3A_301 : memref<8x8x128xf32, #tpu.memory_space<vmem>>) dst(%dma_wait3A_297 : memref<8x8x128xf32, #tpu.memory_space<hbm>>)
    %dma_wait3A_302 = arith.constant 199 : i32
    %dma_wait3A_303 = arith.constant 0 : i32
    %dma_wait3A_304 = arith.constant 0 : i32
    %dma_wait3A_305 = arith.constant 0 : i32
    %dma_wait3A_306 = tpu.memref_slice %arg16[%dma_wait3A_303, %dma_wait3A_304, %dma_wait3A_305] : memref<8x8x136xf32, #tpu.memory_space<vmem>> -> memref<8x8x128xf32, #tpu.memory_space<vmem>>
    %dma_wait3A_307 = arith.constant 0 : i32
    %dma_wait3A_308 = arith.constant 0 : i32
    %dma_wait3A_309 = arith.constant 0 : i32
    %dma_wait3A_310 = tpu.memref_slice %arg9[%dma_wait3A_302, %dma_wait3A_307, %add3A, %dma_wait3A_308, %dma_wait3A_309] : memref<200x8x32x8x128xf32, #tpu.memory_space<hbm>> -> memref<1x8x1x8x128xf32, #tpu.memory_space<hbm>>
    %dma_wait3A_311 = tpu.memref_squeeze %dma_wait3A_310 : memref<1x8x1x8x128xf32, #tpu.memory_space<hbm>> -> memref<8x8x128xf32, #tpu.memory_space<hbm>>
    %dma_wait3A_312 = arith.constant 0 : i32
    %dma_wait3A_313 = arith.constant 0 : i32
    %dma_wait3A_314 = arith.constant 0 : i32
    %dma_wait3A_315 = tpu.memref_slice %arg9[%dma_wait3A_302, %dma_wait3A_312, %add3A, %dma_wait3A_313, %dma_wait3A_314] : memref<200x8x32x8x128xf32, #tpu.memory_space<hbm>> -> memref<1x8x1x8x128xf32, #tpu.memory_space<hbm>>
    %dma_wait3A_316 = tpu.memref_squeeze %dma_wait3A_315 : memref<1x8x1x8x128xf32, #tpu.memory_space<hbm>> -> memref<8x8x128xf32, #tpu.memory_space<hbm>>
    %dma_wait3A_317 = arith.constant 0 : i32
    %dma_wait3A_318 = arith.constant 0 : i32
    %dma_wait3A_319 = arith.constant 0 : i32
    %dma_wait3A_320 = tpu.memref_slice %arg16[%dma_wait3A_317, %dma_wait3A_318, %dma_wait3A_319] : memref<8x8x136xf32, #tpu.memory_space<vmem>> -> memref<8x8x128xf32, #tpu.memory_space<vmem>>
    tpu.wait_dma2 semaphore(%arg20 : memref<!tpu.dma_semaphore, #tpu.memory_space<semaphore_mem>>) src(%dma_wait3A_320 : memref<8x8x128xf32, #tpu.memory_space<vmem>>) dst(%dma_wait3A_316 : memref<8x8x128xf32, #tpu.memory_space<hbm>>)
    return
  }
}

</mosaic_0001>

<sc_bundles>
// kernel: kernel.3.cloned.1.call-start
scs
__scs_entry_jumppad:
0x0: {  	(pc) =	sbr.rel $0x88, $3  }
0x1: {  	(tag) =	ssettag $0x0;
	lr =	simm.s32 $0x1  }
0x2: {  	[smem:$0x3F9D] =	sst lr;
	_ =	strace $0xD0000000  }
0x3: {  	_ = 	snop  }
0x4: {  	_ = 	snop  }
0x5: {  	_ = 	snop  }
0x6: {  	_ = 	snop  }
0x7: {  	_ = 	snop  }
__scs_overlays_trampoline_lowered:
0x8: {  	[smem:$0x3FAC] =	sst s0  }
0x9: {  	[smem:$0x3FAD] =	sst s1  }
0xa: {  	[smem:$0x3FAE] =	sst s2  }
0xb: {  	[smem:$0x3FAF] =	sst s3  }
0xc: {  	[smem:$0x3FB0] =	sst s4  }
0xd: {  	[smem:$0x3FB1] =	sst s5  }
0xe: {  	[smem:$0x3FB2] =	sst s6  }
0xf: {  	[smem:$0x3FB3] =	sst s7  }
0x10: {  	[smem:$0x3FB4] =	sst s8  }
0x11: {  	[smem:$0x3FB5] =	sst s9;
	s0 =	simm.s32 @!p0 $0x0  }
0x12: {  	s1 =	sld [smem:$0x3F9B];
	s0 =	simm.s32 @p0 $0x1  }
0x13: {  	[smem:$0x3FB6] =	sst s0;
	s0 =	simm.s32 @!p1 $0x0  }
0x14: {  	s2 =	sld [smem:$0x3F9A];
	s0 =	simm.s32 @p1 $0x1  }
0x15: {  	[smem:$0x3FB7] =	sst s0;
	s0 =	simm.s32 @!p2 $0x0  }
0x16: {  	s3 =	sld [smem:$0x3FDB];
	s0 =	simm.s32 @p2 $0x1  }
0x17: {  	s4 =	simm.s32 $0x1BF5;
	[smem:$0x3FB9] =	sst s0  }
0x18: {  	s0 =	sld [smem:$0x3F9C];
	_ =	swait.ge [sflag:s4], $0x0  }
0x19: {  	s7 =	sld [smem:$0x3F9D]  }
0x1a: {  	s8 =	sadd.s32 $0xFFFFE003, lr  }
0x1b: {  	s9 =	sadd.s32 $0xFFFFFEF7, lr;
	s5 =	simm.s32 $0xFFFFFFFF;
	p2 =	slt.u32 s8, $0xFFFFF086  }
0x1c: {  	p1 =	slt.u32 s9, $0xF7A;
	s5 =	simm.s32 @!p2 $0x0  }
0x1d: {  	s5 =	simm.s32 @p1 $0x1;
	p0 =	seq.s32 s7, s2  }
0x1e: {  	s7 =	smul.u32 @!p0 $0xF7A, s2;
	p2 =	seq.s32 @!p0 s5, $0x0  }
0x1f: {  	s9 =	smul.u32 $0xF7A, s1;
	s8 =	simm.s32 @!p0 $0x1BF5;
	p2 =	por !p2, p0  }
0x20: {  	[sflag:s8] =	ssyncset.s32 @!p0 $0xFFFFF086;
	s6 =	sadd.s32 @!p0 s3, s7;
	s7 =	simm.s32 @!p0 $0x108  }
0x21: {  	s3 =	sadd.s32 s3, s9;
	s6 =	sadd.s32 @!p0 $0x88, s6;
	s7 =	simm.s32 @p2 $0x1082  }
0x22: {  	[simem:s7], [sflag:s8] =	dma.local @!p0 [hbm:s6], $0xF7A  }
0x23: {  	s9 =	sor.u32 $0xD0000000, s2;
	s6 =	simm.s32 $0x108;
	_ =	swait.ge @!p0 [sflag:s8], $0x0  }
0x24: {  	s3 =	sadd.s32 $0x88, s3;
	s6 =	simm.s32 @!p1 $0x1082;
	[sflag:s4] =	ssyncset.s32 $0xFFFFF086  }
0x25: {  	[simem:s6], [sflag:s4] =	dma.local [hbm:s3], $0xF7A  }
0x26: {  	[smem:$0x3F9D] =	sst s1;
	(tag) =	ssettag s2;
	_ =	strace s9  }
0x27: {  	s1 =	sld [smem:$0x3FAD]  }
0x28: {  	s2 =	sld [smem:$0x3FAE]  }
0x29: {  	s4 =	sld [smem:$0x3FB0]  }
0x2a: {  	p0 =	seq.s32 s5, $0x0;
	s5 =	sld [smem:$0x3FB1]  }
0x2b: {  	s6 =	sld [smem:$0x3FB2]  }
0x2c: {  	s7 =	sld [smem:$0x3FB3]  }
0x2d: {  	s3 =	simm.s32 $0x108;
	s8 =	sld [smem:$0x3FB4]  }
0x2e: {  	s3 =	simm.s32 @!p0 $0x1082;
	s9 =	sld [smem:$0x3FB5]  }
0x2f: {  	lr =	sadd.s32 s0, s3;
	s0 =	sld [smem:$0x3FAC]  }
0x30: {  	s3 =	sld [smem:$0x3FAF]  }
0x31: {  	[smem:$0x3FB8] =	sst s10  }
0x32: {  	s10 =	sld [smem:$0x3FB6];
	_ =	sdelay $0x3  }
0x33: {  	p0 =	seq.s32 s10, $0x1;
	s10 =	sld [smem:$0x3FB8];
	_ =	sdelay $0x3  }
0x34: {  	[smem:$0x3FB8] =	sst s10  }
0x35: {  	s10 =	sld [smem:$0x3FB7];
	_ =	sdelay $0x3  }
0x36: {  	p1 =	seq.s32 s10, $0x1;
	s10 =	sld [smem:$0x3FB8];
	_ =	sdelay $0x3  }
0x37: {  	[smem:$0x3FB8] =	sst s10  }
0x38: {  	s10 =	sld [smem:$0x3FB9]  }
0x39: {  	_ = 	snop;
	(pc) =	sbr.ind lr, $3  }
0x3a: {  	_ = 	snop  }
0x3b: {  	_ = 	snop  }
0x3c: {  	p2 =	seq.s32 s10, $0x1;
	s10 =	sld [smem:$0x3FB8]  }
0x3d: {  	_ =	shalt  }
0x3e: {  	_ =	shalt  }
0x3f: {  	_ =	shalt  }
0x40: {  	_ =	shalt  }
0x41: {  	_ =	shalt  }
0x42: {  	_ =	shalt  }
0x43: {  	_ =	shalt  }
0x44: {  	_ =	shalt  }
0x45: {  	_ =	shalt  }
0x46: {  	_ =	shalt  }
0x47: {  	_ =	shalt  }
0x48: {  	_ =	shalt  }
0x49: {  	_ =	shalt  }
0x4a: {  	_ =	shalt  }
0x4b: {  	_ =	shalt  }
0x4c: {  	_ =	shalt  }
0x4d: {  	_ =	shalt  }
0x4e: {  	_ =	shalt  }
0x4f: {  	_ =	shalt  }
0x50: {  	_ =	shalt  }
0x51: {  	_ =	shalt  }
0x52: {  	_ =	shalt  }
0x53: {  	_ =	shalt  }
0x54: {  	_ =	shalt  }
0x55: {  	_ =	shalt  }
0x56: {  	_ =	shalt  }
0x57: {  	_ =	shalt  }
0x58: {  	_ =	shalt  }
0x59: {  	_ =	shalt  }
0x5a: {  	_ =	shalt  }
0x5b: {  	_ =	shalt  }
0x5c: {  	_ =	shalt  }
0x5d: {  	_ =	shalt  }
0x5e: {  	_ =	shalt  }
0x5f: {  	_ =	shalt  }
0x60: {  	_ =	shalt  }
0x61: {  	_ =	shalt  }
0x62: {  	_ =	shalt  }
0x63: {  	_ =	shalt  }
0x64: {  	_ =	shalt  }
0x65: {  	_ =	shalt  }
0x66: {  	_ =	shalt  }
0x67: {  	_ =	shalt  }
0x68: {  	_ =	shalt  }
0x69: {  	_ =	shalt  }
0x6a: {  	_ =	shalt  }
0x6b: {  	_ =	shalt  }
0x6c: {  	_ =	shalt  }
0x6d: {  	_ =	shalt  }
0x6e: {  	_ =	shalt  }
0x6f: {  	_ =	shalt  }
0x70: {  	_ =	shalt  }
0x71: {  	_ =	shalt  }
0x72: {  	_ =	shalt  }
0x73: {  	_ =	shalt  }
0x74: {  	_ =	shalt  }
0x75: {  	_ =	shalt  }
0x76: {  	_ =	shalt  }
0x77: {  	_ =	shalt  }
0x78: {  	_ =	shalt  }
0x79: {  	_ =	shalt  }
0x7a: {  	_ =	shalt  }
0x7b: {  	_ =	shalt  }
0x7c: {  	_ =	shalt  }
0x7d: {  	_ =	shalt  }
0x7e: {  	_ =	shalt  }
0x7f: {  	_ =	shalt  }
0x80: {  	_ =	shalt  }
0x81: {  	_ =	shalt  }
0x82: {  	_ =	shalt  }
0x83: {  	_ =	shalt  }
0x84: {  	_ =	shalt  }
0x85: {  	_ =	shalt  }
0x86: {  	_ =	shalt  }
0x87: {  	_ =	shalt  }
.Lfunc_end0:
.L_simem_size_0:
called_computation_lowered:
.L_overlay_start_0:
0x88: {  	s2 =	sld [smem:$0x3FD9]  }
0x89: {  	s3 =	sld [smem:$0x3FFE];
	_ =	sdelay $0x1  }
0x8a: {  	s1 =	srdreg.scid  }
0x8b: {  	s0 =	sand.u32 $0x1, s1  }
0x8c: {  	s14 =	sshll.u32 s0, $0xA;
	s2 =	sadd.s32 s3, s2  }
0x8d: {  	s2 =	sadd.s32 s2, s14  }
0x8e: {  	[smem:$0x3FC4] =	sst s2  }
0x8f: {  	_ = 	snop  }
0x90: {  	s2 =	sld [smem:$0x3FD0];
	_ =	sdelay $0x2  }
0x91: {  	s4 =	simm.s32 $0xA;
	s5 =	simm.s32 $0x10;
	s15 =	sld [smem:$0x3FC8]  }
0x92: {  	[smem:s5], [sflag:s4] =	dma.local [hbm:s2], $0x1  }
0x93: {  	_ =	swait.eq [sflag:s4], $0x1  }
0x94: {  	s16 =	sld [smem:$0x10];
	[sflag:s4] =	ssyncset.done $0x0  }
0x95: {  	s17 =	sld [smem:$0x11];
	[sflag:s4] =	ssyncadd.s32 $0xFFFFFFFF  }
0x96: {  	s18 =	sld [smem:$0x12];
	(tm) =	ssettm $0x1  }
0x97: {  	s6 =	sld [smem:$0x3FFB];
	_ =	sdelay $0x3  }
0x98: {  	_ =	strace s6  }
0x99: {  	s6 =	sld [smem:$0x3FFC];
	_ =	sdelay $0x3  }
0x9a: {  	_ =	strace s6  }
0x9b: {  	s6 =	sld [smem:$0x3FFD];
	_ =	sdelay $0x3  }
0x9c: {  	_ =	strace s6  }
0x9d: {  	_ =	strace $0x8FFFFFFF  }
0x9e: {  	s19 =	sld [smem:$0x3FDB];
	_ =	sdelay $0x1  }
0x9f: {  	s7 =	simm.s32 $_scs_section_size  }
0xa0: {  	s8 =	simm.s32 $_size__tile_overlayer_lowered;
	s9 =	simm.s32 $_tile_overlayer_lowered  }
0xa1: {  	s22 =	simm.s32 $0x1BFF;
	s21 =	sshll.u32 s9, $0x1;
	s6 =	sadd.s32 s7, s19  }
0xa2: {  	s10 =	simm.s32 $0x0;
	s20 =	sshll.u32 s8, $0x1;
	s8 =	sadd.s32 s21, s6  }
0xa3: {  	[timem:s10], [sflag:s22] =	dma.local [hbm:s8], s20  }
0xa4: {  	_ =	swait.ge [sflag:s22], s20  }
0xa5: {  	s7 =	ssub.s32 $0x0, s20;
	[sflag:s22] =	ssyncset.done $0x0  }
0xa6: {  	[sflag:s22] =	ssyncadd.s32 s7;
	_ =	sdelay $0x1  }
0xa7: {  	s23 =	simm.s32 $0x1B8B  }
0xa8: {  	_ =	swait.ge [sflag:s23], $0x1  }
0xa9: {  	[sflag:s23] =	ssyncset.done $0x0  }
0xaa: {  	s25 =	simm.s32 $0x1B8E;
	s24 =	sld [smem:$0x3FFE];
	[sflag:s23] =	ssyncadd.s32 $0xFFFFFFFF  }
0xab: {  	s26 =	simm.s32 $execute0_lowered;
	[smem:$0x3FD2] =	sst s25  }
0xac: {  	s8 =	sshll.u32 s26, $0x1;
	_ =	strace $0x80000046;
	[dreg:$0x1] =	wrdreg $0xFFFFFFFF  }
0xad: {  	s28 =	simm.s32 $_size_execute0_lowered;
	s6 =	sadd.s32 s6, s8;
	[dreg:$0x0] =	wrdreg $0x0  }
0xae: {  	s8 =	sshll.u32 s28, $0x1;
	[dreg:$0x2] =	wrdreg s6  }
0xaf: {  	[dreg:$0x3] =	wrdreg s8  }
0xb0: {  	[dreg:$0x4] =	wrdreg $0xC0  }
0xb1: {  	_ =	task [dreg:s10], $0x5FFFF  }
0xb2: {  	[dreg:$0x1] =	wrdreg $0xFFFFFFFF  }
0xb3: {  	[dreg:$0x0] =	wrdreg $0x60  }
0xb4: {  	[dreg:$0x2] =	wrdreg s24  }
0xb5: {  	[dreg:$0x3] =	wrdreg s15  }
0xb6: {  	[dreg:$0x4] =	wrdreg s16  }
0xb7: {  	[dreg:$0x5] =	wrdreg s17  }
0xb8: {  	[dreg:$0x6] =	wrdreg s18  }
0xb9: {  	[dreg:$0x7] =	wrdreg $0x9  }
0xba: {  	_ =	task.clear_ibuf [dreg:s10], $0x8FFFF;
	_ =	strace $0x90000046  }
0xbb: {  	s29 =	simm.s32 $0x9;
	_ =	strace $0x80000048  }
0xbc: {  	_ =	swait.ge [sflag:s29], $0x1  }
0xbd: {  	[sflag:s29] =	ssyncadd.s32 $0xFFFFFFFF  }
0xbe: {  	_ =	strace $0x90000048  }
0xbf: {  	_ =	sfence  }
0xc0: {  	s30 =	sld [smem:$0x0];
	_ =	sdelay $0x2  }
0xc1: {  	s31 =	sshll.u32 s1, $0xD;
	s1 =	sshrl.u32 s1, $0x2  }
0xc2: {  	s3 =	sand.u32 $0x4000, s31;
	s1 =	sadd.s32 s1, s30  }
0xc3: {  	s0 =	sor.u32 s3, s0;
	s1 =	sshll.u32 s1, $0x11  }
0xc4: {  	s0 =	sor.u32 s1, s0  }
0xc5: {  	s0 =	sadd.s32 $0x8F2B, s0  }
0xc6: {  	[sflag:s0] =	ssyncadd.remote.s32 $0x1  }
0xc7: {  	_ =	sfence.sel $0xFFFF  }
0xc8: {  	[dreg:$0x0] =	wrdreg $0xFFFFFFFF;
	(pc) =	sbr.abs _section_cstart, $3  }
0xc9: {  	[dreg:$0x1] =	wrdreg $0xFFFFFFFF  }
0xca: {  	_ =	task.clear_ibuf [dreg:s10], $0x2FFFF;
	_ =	strace $0x9FFFFFFF  }
0xcb: {  	(tm) =	ssettm $0x7FFFFFFF  }
tec
execute0_lowered:
.L_overlay_start_1:
0x0: {  	(tag) =	ssettag $0x1  }
0x1: {  	s0 =	rddreg [dreg:$0x0]  }
0x2: {  	s1 =	rddreg [dreg:$0x1]  }
0x3: {  	s2 =	rddreg [dreg:$0x3];
	v0 =	vlaneseq.u32  }
0x4: {  	s3 =	rddreg [dreg:$0x4];
	s5 =	srdreg.scid;
	v0 =	vmul.u32 $0x88, v0  }
0x5: {  	s6 =	stileid.u32;
	s4 =	simm.s32 $0x0;
	v1 =	vimm.s32 $0x0;
	vm0 =	vcmask $0x300;
	s13 =	simm.s32 $0x5  }
0x6: {  	s14 =	simm.s32 $0x80;
	s15 =	simm.s32 $0x1;
	s16 =	simm.s32 $0x3;
	v1 =	vsel vm0, $0x3, v1;
	v2 =	vadd.s32 $0x880, v0  }
0x7: {  	s19 =	simm.s32 $0x2080;
	s20 =	simm.s32 $0x8480;
	s21 =	simm.s32 $0xC480;
	v3 =	vadd.s32 $0x1100, v0;
	v4 =	vadd.s32 $0x1980, v0;
	v5 =	vor.u32 $0x1, v0  }
0x8: {  	s22 =	simm.s32 $0x10480;
	s23 =	simm.s32 $0x2;
	s24 =	simm.s32 $0x4;
	v6 =	vadd.s32 $0x881, v0;
	v7 =	vadd.s32 $0x1101, v0;
	v8 =	vadd.s32 $0x1981, v0  }
0x9: {  	s25 =	simm.s32 $0x12680;
	s26 =	simm.s32 $0x0;
	s28 =	simm.s32 $0x0;
	v9 =	vor.u32 $0x2, v0;
	v10 =	vadd.s32 $0x882, v0;
	v11 =	vadd.s32 $0x1102, v0  }
0xa: {  	s5 =	sand.u32 $0x1, s5;
	s6 =	sshll.u32 s6, $0x1;
	[smem:$0x7FF] =	sst s4;
	v12 =	vadd.s32 $0x1982, v0;
	v13 =	vor.u32 $0x3, v0;
	v14 =	vadd.s32 $0x883, v0  }
0xb: {  	s9 =	sor.u32 s5, s6;
	_ =	strace $0x80000047;
	s7 =	ssub.s32 $0x2, s5;
	v15 =	vadd.s32 $0x1103, v0;
	v16 =	vadd.s32 $0x1983, v0;
	v17 =	vor.u32 $0x4, v0  }
0xc: {  	s6 =	sshll.u32 s9, $0x4;
	s5 =	sshll.u32 s9, $0xA;
	s8 =	sshrl.u32 s7, $0x1;
	v18 =	vadd.s32 $0x884, v0;
	v19 =	vadd.s32 $0x1104, v0;
	v20 =	vadd.s32 $0x1984, v0  }
0xd: {  	s31 =	sshll.u32 s9, $0x7;
	v21 =	vor.u32 $0x5, v0;
	v22 =	vadd.s32 $0x885, v0;
	v23 =	vadd.s32 $0x1105, v0;
	s10 =	sadd.s32 s6, s0;
	s6 =	sadd.s32 $0xF43400, s0  }
0xe: {  	v24 =	vadd.s32 $0x1985, v0;
	v25 =	vor.u32 $0x6, v0;
	v26 =	vadd.s32 $0x886, v0;
	s0 =	sadd.s32 s5, s0;
	s12 =	ssub.s32 s7, s8;
	s8 =	sadd.s32 s2, s5  }
0xf: {  	v27 =	vadd.s32 $0x1106, v0;
	v28 =	vadd.s32 $0x1986, v0;
	v29 =	vor.u32 $0x7, v0;
	s11 =	sadd.s32 s1, s31;
	s30 =	sadd.s32 $0xE00, s10;
	s9 =	sadd.s32 $0xC00, s10  }
0x10: {  	v30 =	vadd.s32 $0x887, v0;
	v31 =	vadd.s32 $0x1107, v0;
	v32 =	vadd.s32 $0x1987, v0;
	s10 =	sadd.s32 $0x1000, s0;
	s12 =	smax.u32 s12, $0x1;
	[dreg:$0x6] =	wrdreg s30  }
.LBB2_1:
0x11: {  	s0 =	rddreg [dreg:$0x6]  }
0x12: {  	[tilespmem:s4], [sflag:$0x5] =	stream.linear.gather [hbm4b:s0+s4], $0x80, $0x38;
	[tilespmem:$0x14880] =	vst v63  }
0x13: {  	_ =	swait.ge [sflag:s13], $0x80  }
0x14: {  	[sflag:s13] =	ssyncset.done $0x0  }
0x15: {  	[sflag:s13] =	ssyncadd.s32 $0xFFFFFF80  }
0x16: {  	[tilespmem:s20], [sflag:$0x1] =	stream.indirect.gather [hbm4b:s6+s14], $0x80, s4, s14, $0xb8;
	[tilespmem:$0x14880] =	vst v63  }
0x17: {  	_ =	swait.ge [sflag:s15], $0x4000  }
0x18: {  	s17 =	sadd.s32 $0x0, s8;
	s1 =	simm.s32 $0x8500;
	[sflag:s15] =	ssyncset.done $0x0  }
0x19: {  	s2 =	simm.s32 $0x8480;
	s0 =	simm.s32 $0x8;
	[sflag:s15] =	ssyncadd.s32 $0xFFFFC000  }
.LBB2_2:
0x1a: {  	[hbm4b:s17+s4] =	stream.linear.scatter [tilespmem:s2], [sflag:$0x3], $0x40, $0x38;
	[tilespmem:$0x14880] =	vst v63  }
0x1b: {  	s17 =	smov.u32 s0;
	s2 =	smov.u32 s1;
	p0 =	sne.s32 s0, $0x3F8  }
.Ltmp0:
0x1c: {  	s0 =	sadd.s32 $0x8, s0;
	(pc) =	sbr.rel @p0 .LBB2_2-.Ltmp0, $2  }
0x1d: {  	_ =	sdelay $0x2  }
0x1e: {  	s1 =	sadd.s32 $0x80, s1;
	s17 =	sadd.s32 s17, s8  }
0x1f: {  	[hbm4b:s17+s4] =	stream.linear.scatter [tilespmem:s2], [sflag:$0x3], $0x40, $0x38;
	[tilespmem:$0x14880] =	vst v63  }
0x20: {  	_ =	swait.ge [sflag:s16], $0x2000  }
0x21: {  	[sflag:s16] =	ssyncset.done $0x0  }
0x22: {  	[sflag:s16] =	ssyncadd.s32 $0xFFFFE000  }
0x23: {  	[tilespmem:s28], [sflag:$0x5] =	stream.linear.gather [hbm4b:s9+s28], $0x80, $0x38;
	[tilespmem:$0x14880] =	vst v63  }
0x24: {  	_ =	swait.ge [sflag:s13], $0x80  }
0x25: {  	[sflag:s13] =	ssyncset.done $0x0  }
0x26: {  	[sflag:s13] =	ssyncadd.s32 $0xFFFFFF80  }
0x27: {  	s0 =	rddreg [dreg:$0x2]  }
0x28: {  	[tilespmem:s14], [sflag:$0x1] =	stream.indirect.gather [hbm4b:s0+s14], $0x40, s28, s14, $0xb8;
	[tilespmem:$0x14880] =	vst v63  }
0x29: {  	_ =	swait.ge [sflag:s15], $0x2000  }
0x2a: {  	[sflag:s15] =	ssyncset.done $0x0  }
0x2b: {  	[sflag:s15] =	ssyncadd.s32 $0xFFFFE000  }
0x2c: {  	[hbm4b:s10+s28] =	stream.linear.scatter [tilespmem:s14], [sflag:$0x3], $0x2000, $0x38;
	[tilespmem:$0x14880] =	vst v63  }
0x2d: {  	_ =	swait.ge [sflag:s16], $0x2000  }
0x2e: {  	[sflag:s16] =	ssyncset.done $0x0  }
0x2f: {  	s31 =	simm.s32 $0x400;
	s1 =	simm.s32 $0x8000;
	[sflag:s16] =	ssyncadd.s32 $0xFFFFE000  }
0x30: {  	[tilespmem:s19], [sflag:$0x5] =	stream.strided.gather [hbm4b:s11+s31], $0x6400, s1, s31, $0x38;
	[tilespmem:$0x14880] =	vst v63  }
0x31: {  	_ =	swait.ge [sflag:s13], $0x6400  }
0x32: {  	[sflag:s13] =	ssyncset.done $0x0  }
0x33: {  	s29 =	simm.s32 $0x0;
	[sflag:s13] =	ssyncadd.s32 $0xFFFF9C00  }
0x34: {  	[tilespmem:s20], [sflag:$0x1] =	stream.indirect.gather [hbm4b:s6+s14], $0x80, s19, s14, $0xb8;
	[tilespmem:$0x14880] =	vst v63  }
.LBB2_4:
0x35: {  	s30 =	sshllo.u32 s29, $0x1  }
0x36: {  	s1 =	sshll.u32 s29, $0x8;
	s0 =	sshll.u32 s30, $0x7  }
0x37: {  	s1 =	sand.u32 $0x7C00, s1;
	s0 =	sand.u32 $0x380, s0  }
0x38: {  	s0 =	sor.u32 s0, s1  }
0x39: {  	s0 =	sadd.s32 $0x2080, s0  }
0x3a: {  	[tilespmem:s21], [sflag:$0x2] =	stream.indirect.gather [hbm4b:s6+s14], $0x80, s0, s14, $0xb8;
	[tilespmem:$0x14880] =	vst v63  }
0x3b: {  	_ =	swait.ge [sflag:s15], $0x4000  }
0x3c: {  	p0 =	seq.s32 s29, $0x0;
	v33 =	vmov s28;
	[sflag:s15] =	ssyncset.done $0x0  }
0x3d: {  	v33 =	vshrl.u32 v33, $0x3;
	s0 =	simm.s32 @!p0 $0x3;
	[sflag:s15] =	ssyncadd.s32 $0xFFFFC000  }
0x3e: {  	v33 =	vshll.u32 v33, v1;
	_ =	swait.ge @!p0 [sflag:s0], $0x2000  }
0x3f: {  	v33 =	vbroadcast v33, $0x0;
	[sflag:s0] =	ssyncset.done @!p0 $0x0  }
0x40: {  	[sflag:s0] =	ssyncadd.s32 @!p0 $0xFFFFE000;
	s0 =	simm.s32 $0x8680  }
0x41: {  	v35 =	vadd.s32 v0, v33;
	v34 =	vld [tilespmem:s0+$0xFFFFFE00]  }
0x42: {  	v37 =	vadd.s32 v2, v33;
	v36 =	vld [tilespmem:s0+$0xFFFFFE10]  }
0x43: {  	v39 =	vadd.s32 v3, v33;
	v38 =	vld [tilespmem:s0+$0xFFFFFE20]  }
0x44: {  	s7 =	simm.s32 $0x1;
	v33 =	vadd.s32 v4, v33;
	v40 =	vld [tilespmem:s0+$0xFFFFFE30]  }
0x45: {  	v41 =	vmov s7  }
0x46: {  	v47 =	vshrl.u32 v41, $0x3;
	[tilespmem:v35+s22+$0x0] =	vst.idx.msk $0xffff, v34  }
0x47: {  	v34 =	vshll.u32 v47, v1;
	[tilespmem:v37+s22+$0x0] =	vst.idx.msk $0xffff, v36  }
0x48: {  	v34 =	vbroadcast v34, $0x0;
	[tilespmem:v39+s22+$0x0] =	vst.idx.msk $0xffff, v38  }
0x49: {  	[tilespmem:v33+s22+$0x0] =	vst.idx.msk $0xffff, v40  }
0x4a: {  	v48 =	vadd.s32 v5, v34;
	v33 =	vld [tilespmem:s0+$0xFFFFFE80]  }
0x4b: {  	v49 =	vadd.s32 v6, v34;
	v36 =	vld [tilespmem:s0+$0xFFFFFE90]  }
0x4c: {  	v50 =	vadd.s32 v7, v34;
	v38 =	vld [tilespmem:s0+$0xFFFFFEA0]  }
0x4d: {  	s17 =	simm.s32 $0x2;
	v34 =	vadd.s32 v8, v34;
	v40 =	vld [tilespmem:s0+$0xFFFFFEB0]  }
0x4e: {  	v51 =	vmov s17  }
0x4f: {  	v52 =	vshrl.u32 v51, $0x3;
	[tilespmem:v48+s22+$0x0] =	vst.idx.msk $0xffff, v33  }
0x50: {  	v33 =	vshll.u32 v52, v1;
	[tilespmem:v49+s22+$0x0] =	vst.idx.msk $0xffff, v36  }
0x51: {  	v33 =	vbroadcast v33, $0x0;
	[tilespmem:v50+s22+$0x0] =	vst.idx.msk $0xffff, v38  }
0x52: {  	[tilespmem:v34+s22+$0x0] =	vst.idx.msk $0xffff, v40  }
0x53: {  	v53 =	vadd.s32 v9, v33;
	v34 =	vld [tilespmem:s0+$0xFFFFFF00]  }
0x54: {  	v54 =	vadd.s32 v10, v33;
	v36 =	vld [tilespmem:s0+$0xFFFFFF10]  }
0x55: {  	v55 =	vadd.s32 v11, v33;
	v38 =	vld [tilespmem:s0+$0xFFFFFF20]  }
0x56: {  	s18 =	simm.s32 $0x3;
	v33 =	vadd.s32 v12, v33;
	v40 =	vld [tilespmem:s0+$0xFFFFFF30]  }
0x57: {  	v56 =	vmov s18  }
0x58: {  	v57 =	vshrl.u32 v56, $0x3;
	[tilespmem:v53+s22+$0x0] =	vst.idx.msk $0xffff, v34  }
0x59: {  	v34 =	vshll.u32 v57, v1;
	[tilespmem:v54+s22+$0x0] =	vst.idx.msk $0xffff, v36  }
0x5a: {  	v34 =	vbroadcast v34, $0x0;
	[tilespmem:v55+s22+$0x0] =	vst.idx.msk $0xffff, v38  }
0x5b: {  	[tilespmem:v33+s22+$0x0] =	vst.idx.msk $0xffff, v40  }
0x5c: {  	v58 =	vadd.s32 v13, v34;
	v33 =	vld [tilespmem:s0+$0xFFFFFF80]  }
0x5d: {  	v59 =	vadd.s32 v14, v34;
	v36 =	vld [tilespmem:s0+$0xFFFFFF90]  }
0x5e: {  	v60 =	vadd.s32 v15, v34;
	v38 =	vld [tilespmem:s0+$0xFFFFFFA0]  }
0x5f: {  	s2 =	simm.s32 $0x4;
	v34 =	vadd.s32 v16, v34;
	v40 =	vld [tilespmem:s0+$0xFFFFFFB0]  }
0x60: {  	v61 =	vmov s2  }
0x61: {  	v62 =	vshrl.u32 v61, $0x3;
	[tilespmem:v58+s22+$0x0] =	vst.idx.msk $0xffff, v33  }
0x62: {  	v33 =	vshll.u32 v62, v1;
	[tilespmem:v59+s22+$0x0] =	vst.idx.msk $0xffff, v36  }
0x63: {  	v33 =	vbroadcast v33, $0x0;
	[tilespmem:v60+s22+$0x0] =	vst.idx.msk $0xffff, v38  }
0x64: {  	[tilespmem:v34+s22+$0x0] =	vst.idx.msk $0xffff, v40  }
0x65: {  	v63 =	vadd.s32 v17, v33;
	v34 =	vld [tilespmem:s0+$0x0]  }
0x66: {  	v44 =	vadd.s32 v18, v33;
	v36 =	vld [tilespmem:s0+$0x10]  }
0x67: {  	v45 =	vadd.s32 v19, v33;
	v38 =	vld [tilespmem:s0+$0x20]  }
0x68: {  	s7 =	simm.s32 $0x5;
	v33 =	vadd.s32 v20, v33;
	v40 =	vld [tilespmem:s0+$0x30]  }
0x69: {  	v46 =	vmov s7  }
0x6a: {  	v47 =	vshrl.u32 v46, $0x3;
	[tilespmem:v63+s22+$0x0] =	vst.idx.msk $0xffff, v34  }
0x6b: {  	v34 =	vshll.u32 v47, v1;
	[tilespmem:v44+s22+$0x0] =	vst.idx.msk $0xffff, v36  }
0x6c: {  	v34 =	vbroadcast v34, $0x0;
	[tilespmem:v45+s22+$0x0] =	vst.idx.msk $0xffff, v38  }
0x6d: {  	[tilespmem:v33+s22+$0x0] =	vst.idx.msk $0xffff, v40  }
0x6e: {  	v48 =	vadd.s32 v21, v34;
	v33 =	vld [tilespmem:s0+$0x80]  }
0x6f: {  	v49 =	vadd.s32 v22, v34;
	v36 =	vld [tilespmem:s0+$0x90]  }
0x70: {  	v50 =	vadd.s32 v23, v34;
	v38 =	vld [tilespmem:s0+$0xA0]  }
0x71: {  	s17 =	simm.s32 $0x6;
	v34 =	vadd.s32 v24, v34;
	v40 =	vld [tilespmem:s0+$0xB0]  }
0x72: {  	v51 =	vmov s17  }
0x73: {  	v52 =	vshrl.u32 v51, $0x3;
	[tilespmem:v48+s22+$0x0] =	vst.idx.msk $0xffff, v33  }
0x74: {  	v33 =	vshll.u32 v52, v1;
	[tilespmem:v49+s22+$0x0] =	vst.idx.msk $0xffff, v36  }
0x75: {  	v33 =	vbroadcast v33, $0x0;
	[tilespmem:v50+s22+$0x0] =	vst.idx.msk $0xffff, v38  }
0x76: {  	[tilespmem:v34+s22+$0x0] =	vst.idx.msk $0xffff, v40  }
0x77: {  	v53 =	vadd.s32 v25, v33;
	v34 =	vld [tilespmem:s0+$0x100]  }
0x78: {  	v54 =	vadd.s32 v26, v33;
	v36 =	vld [tilespmem:s0+$0x110]  }
0x79: {  	v55 =	vadd.s32 v27, v33;
	v38 =	vld [tilespmem:s0+$0x120]  }
0x7a: {  	s18 =	simm.s32 $0x7;
	v33 =	vadd.s32 v28, v33;
	v40 =	vld [tilespmem:s0+$0x130]  }
0x7b: {  	v56 =	vmov s18  }
0x7c: {  	v57 =	vshrl.u32 v56, $0x3;
	[tilespmem:v53+s22+$0x0] =	vst.idx.msk $0xffff, v34  }
0x7d: {  	v34 =	vshll.u32 v57, v1;
	[tilespmem:v54+s22+$0x0] =	vst.idx.msk $0xffff, v36  }
0x7e: {  	v58 =	vbroadcast v34, $0x0;
	[tilespmem:v55+s22+$0x0] =	vst.idx.msk $0xffff, v38  }
0x7f: {  	[tilespmem:v33+s22+$0x0] =	vst.idx.msk $0xffff, v40  }
0x80: {  	v59 =	vadd.s32 v29, v58;
	v33 =	vld [tilespmem:s0+$0x180]  }
0x81: {  	v60 =	vadd.s32 v30, v58;
	v37 =	vld [tilespmem:s0+$0x190]  }
0x82: {  	v61 =	vadd.s32 v31, v58;
	v39 =	vld [tilespmem:s0+$0x1A0]  }
0x83: {  	s2 =	simm.s32 $0x8  }
0x84: {  	v62 =	vmov s2;
	v35 =	vadd.s32 v32, v58;
	v34 =	vld [tilespmem:s0+$0x1B0]  }
0x85: {  	v41 =	vshrl.u32 v62, $0x3;
	[tilespmem:v59+s22+$0x0] =	vst.idx.msk $0xffff, v33  }
0x86: {  	v63 =	vshll.u32 v41, v1;
	[tilespmem:v60+s22+$0x0] =	vst.idx.msk $0xffff, v37  }
0x87: {  	s31 =	sshll.u32 s29, $0x1;
	s1 =	simm.s32 $0x10;
	v33 =	vbroadcast v63, $0x0;
	[tilespmem:v61+s22+$0x0] =	vst.idx.msk $0xffff, v39  }
.LBB2_5:
0x88: {  	p1 =	slt.u32 s1, $0x78  }
0x89: {  	[tilespmem:v35+s22+$0x0] =	vst.idx.msk $0xffff, v34;
	s0 =	sadd.s32 $0x400, s0;
	s17 =	smov.u32 s1;
	s1 =	sadd.s32 $0x8, s1  }
0x8a: {  	v34 =	vld [tilespmem:s0+$0xFFFFFE00];
	v35 =	vadd.s32 v0, v33  }
0x8b: {  	v37 =	vadd.s32 v2, v33;
	v36 =	vld [tilespmem:s0+$0xFFFFFE10]  }
0x8c: {  	v39 =	vadd.s32 v3, v33;
	v38 =	vld [tilespmem:s0+$0xFFFFFE20]  }
0x8d: {  	s18 =	sadd.s32 $0x1, s2;
	v33 =	vadd.s32 v4, v33;
	v40 =	vld [tilespmem:s0+$0xFFFFFE30]  }
0x8e: {  	v41 =	vmov s18  }
0x8f: {  	[tilespmem:v35+s22+$0x0] =	vst.idx.msk $0xffff, v34;
	v34 =	vshrl.u32 v41, $0x3  }
0x90: {  	[tilespmem:v37+s22+$0x0] =	vst.idx.msk $0xffff, v36;
	v34 =	vshll.u32 v34, v1  }
0x91: {  	[tilespmem:v39+s22+$0x0] =	vst.idx.msk $0xffff, v38;
	v34 =	vbroadcast v34, $0x0  }
0x92: {  	[tilespmem:v33+s22+$0x0] =	vst.idx.msk $0xffff, v40  }
0x93: {  	v33 =	vld [tilespmem:s0+$0xFFFFFE80];
	v35 =	vadd.s32 v5, v34  }
0x94: {  	v37 =	vadd.s32 v6, v34;
	v36 =	vld [tilespmem:s0+$0xFFFFFE90]  }
0x95: {  	v39 =	vadd.s32 v7, v34;
	v38 =	vld [tilespmem:s0+$0xFFFFFEA0]  }
0x96: {  	s18 =	sadd.s32 $0x2, s2;
	v34 =	vadd.s32 v8, v34;
	v40 =	vld [tilespmem:s0+$0xFFFFFEB0]  }
0x97: {  	v41 =	vmov s18  }
0x98: {  	[tilespmem:v35+s22+$0x0] =	vst.idx.msk $0xffff, v33;
	v33 =	vshrl.u32 v41, $0x3  }
0x99: {  	[tilespmem:v37+s22+$0x0] =	vst.idx.msk $0xffff, v36;
	v33 =	vshll.u32 v33, v1  }
0x9a: {  	[tilespmem:v39+s22+$0x0] =	vst.idx.msk $0xffff, v38;
	v33 =	vbroadcast v33, $0x0  }
0x9b: {  	[tilespmem:v34+s22+$0x0] =	vst.idx.msk $0xffff, v40  }
0x9c: {  	v34 =	vld [tilespmem:s0+$0xFFFFFF00];
	v35 =	vadd.s32 v9, v33  }
0x9d: {  	v37 =	vadd.s32 v10, v33;
	v36 =	vld [tilespmem:s0+$0xFFFFFF10]  }
0x9e: {  	v39 =	vadd.s32 v11, v33;
	v38 =	vld [tilespmem:s0+$0xFFFFFF20]  }
0x9f: {  	s18 =	sadd.s32 $0x3, s2;
	v33 =	vadd.s32 v12, v33;
	v40 =	vld [tilespmem:s0+$0xFFFFFF30]  }
0xa0: {  	v41 =	vmov s18  }
0xa1: {  	[tilespmem:v35+s22+$0x0] =	vst.idx.msk $0xffff, v34;
	v34 =	vshrl.u32 v41, $0x3  }
0xa2: {  	[tilespmem:v37+s22+$0x0] =	vst.idx.msk $0xffff, v36;
	v34 =	vshll.u32 v34, v1  }
0xa3: {  	[tilespmem:v39+s22+$0x0] =	vst.idx.msk $0xffff, v38;
	v34 =	vbroadcast v34, $0x0  }
0xa4: {  	[tilespmem:v33+s22+$0x0] =	vst.idx.msk $0xffff, v40  }
0xa5: {  	v33 =	vld [tilespmem:s0+$0xFFFFFF80];
	v35 =	vadd.s32 v13, v34  }
0xa6: {  	v37 =	vadd.s32 v14, v34;
	v36 =	vld [tilespmem:s0+$0xFFFFFF90]  }
0xa7: {  	v39 =	vadd.s32 v15, v34;
	v38 =	vld [tilespmem:s0+$0xFFFFFFA0]  }
0xa8: {  	s18 =	sadd.s32 $0x4, s2;
	v34 =	vadd.s32 v16, v34;
	v40 =	vld [tilespmem:s0+$0xFFFFFFB0]  }
0xa9: {  	v41 =	vmov s18  }
0xaa: {  	[tilespmem:v35+s22+$0x0] =	vst.idx.msk $0xffff, v33;
	v33 =	vshrl.u32 v41, $0x3  }
0xab: {  	[tilespmem:v37+s22+$0x0] =	vst.idx.msk $0xffff, v36;
	v33 =	vshll.u32 v33, v1  }
0xac: {  	[tilespmem:v39+s22+$0x0] =	vst.idx.msk $0xffff, v38;
	v33 =	vbroadcast v33, $0x0  }
0xad: {  	[tilespmem:v34+s22+$0x0] =	vst.idx.msk $0xffff, v40  }
0xae: {  	v34 =	vld [tilespmem:s0+$0x0];
	v35 =	vadd.s32 v17, v33  }
0xaf: {  	v37 =	vadd.s32 v18, v33;
	v36 =	vld [tilespmem:s0+$0x10]  }
0xb0: {  	v39 =	vadd.s32 v19, v33;
	v38 =	vld [tilespmem:s0+$0x20]  }
0xb1: {  	s18 =	sadd.s32 $0x5, s2;
	v33 =	vadd.s32 v20, v33;
	v40 =	vld [tilespmem:s0+$0x30]  }
0xb2: {  	v41 =	vmov s18  }
0xb3: {  	[tilespmem:v35+s22+$0x0] =	vst.idx.msk $0xffff, v34;
	v34 =	vshrl.u32 v41, $0x3  }
0xb4: {  	[tilespmem:v37+s22+$0x0] =	vst.idx.msk $0xffff, v36;
	v34 =	vshll.u32 v34, v1  }
0xb5: {  	[tilespmem:v39+s22+$0x0] =	vst.idx.msk $0xffff, v38;
	v34 =	vbroadcast v34, $0x0  }
0xb6: {  	[tilespmem:v33+s22+$0x0] =	vst.idx.msk $0xffff, v40  }
0xb7: {  	v33 =	vld [tilespmem:s0+$0x80];
	v35 =	vadd.s32 v21, v34  }
0xb8: {  	v37 =	vadd.s32 v22, v34;
	v36 =	vld [tilespmem:s0+$0x90]  }
0xb9: {  	v39 =	vadd.s32 v23, v34;
	v38 =	vld [tilespmem:s0+$0xA0]  }
0xba: {  	s18 =	sadd.s32 $0x6, s2;
	v34 =	vadd.s32 v24, v34;
	v40 =	vld [tilespmem:s0+$0xB0]  }
0xbb: {  	v41 =	vmov s18  }
0xbc: {  	[tilespmem:v35+s22+$0x0] =	vst.idx.msk $0xffff, v33;
	v33 =	vshrl.u32 v41, $0x3  }
0xbd: {  	[tilespmem:v37+s22+$0x0] =	vst.idx.msk $0xffff, v36;
	v33 =	vshll.u32 v33, v1  }
0xbe: {  	[tilespmem:v39+s22+$0x0] =	vst.idx.msk $0xffff, v38;
	v33 =	vbroadcast v33, $0x0  }
0xbf: {  	[tilespmem:v34+s22+$0x0] =	vst.idx.msk $0xffff, v40  }
0xc0: {  	v34 =	vld [tilespmem:s0+$0x100];
	v35 =	vadd.s32 v25, v33  }
0xc1: {  	v37 =	vadd.s32 v26, v33;
	v36 =	vld [tilespmem:s0+$0x110]  }
0xc2: {  	v39 =	vadd.s32 v27, v33;
	v38 =	vld [tilespmem:s0+$0x120]  }
0xc3: {  	s18 =	sadd.s32 $0x7, s2;
	s2 =	smov.u32 s17;
	v33 =	vadd.s32 v28, v33;
	v40 =	vld [tilespmem:s0+$0x130]  }
0xc4: {  	v41 =	vmov s18  }
0xc5: {  	[tilespmem:v35+s22+$0x0] =	vst.idx.msk $0xffff, v34;
	v34 =	vshrl.u32 v41, $0x3  }
0xc6: {  	[tilespmem:v37+s22+$0x0] =	vst.idx.msk $0xffff, v36;
	v34 =	vshll.u32 v34, v1  }
0xc7: {  	[tilespmem:v39+s22+$0x0] =	vst.idx.msk $0xffff, v38;
	v35 =	vbroadcast v34, $0x0  }
0xc8: {  	[tilespmem:v33+s22+$0x0] =	vst.idx.msk $0xffff, v40  }
0xc9: {  	v33 =	vld [tilespmem:s0+$0x180];
	v36 =	vadd.s32 v29, v35  }
0xca: {  	v38 =	vadd.s32 v30, v35;
	v37 =	vld [tilespmem:s0+$0x190]  }
0xcb: {  	v40 =	vadd.s32 v31, v35;
	v39 =	vld [tilespmem:s0+$0x1A0]  }
.Ltmp1:
0xcc: {  	v35 =	vadd.s32 v32, v35;
	v34 =	vld [tilespmem:s0+$0x1B0];
	(pc) =	sbr.rel @p1 .LBB2_5-.Ltmp1, $4  }
0xcd: {  	v41 =	vmov s2  }
0xce: {  	v41 =	vshrl.u32 v41, $0x3;
	[tilespmem:v36+s22+$0x0] =	vst.idx.msk $0xffff, v33  }
0xcf: {  	v33 =	vshll.u32 v41, v1;
	[tilespmem:v38+s22+$0x0] =	vst.idx.msk $0xffff, v37  }
0xd0: {  	v33 =	vbroadcast v33, $0x0;
	[tilespmem:v40+s22+$0x0] =	vst.idx.msk $0xffff, v39  }
0xd1: {  	_ =	sdelay $0x3  }
0xd2: {  	[tilespmem:v35+s22+$0x0] =	vst.idx.msk $0xffff, v34;
	s0 =	sadd.s32 $0x400, s0  }
0xd3: {  	v34 =	vld [tilespmem:s0+$0xFFFFFE00];
	v48 =	vadd.s32 v0, v33  }
0xd4: {  	v36 =	vld [tilespmem:s0+$0xFFFFFE10];
	v37 =	vadd.s32 v2, v33  }
0xd5: {  	v38 =	vld [tilespmem:s0+$0xFFFFFE20];
	v39 =	vadd.s32 v3, v33  }
0xd6: {  	s1 =	sadd.s32 $0x1, s2;
	v40 =	vld [tilespmem:s0+$0xFFFFFE30];
	v49 =	vadd.s32 v4, v33  }
0xd7: {  	v41 =	vmov s1  }
0xd8: {  	v50 =	vshrl.u32 v41, $0x3;
	[tilespmem:v48+s22+$0x0] =	vst.idx.msk $0xffff, v34  }
0xd9: {  	v34 =	vshll.u32 v50, v1;
	[tilespmem:v37+s22+$0x0] =	vst.idx.msk $0xffff, v36  }
0xda: {  	v34 =	vbroadcast v34, $0x0;
	[tilespmem:v39+s22+$0x0] =	vst.idx.msk $0xffff, v38  }
0xdb: {  	[tilespmem:v49+s22+$0x0] =	vst.idx.msk $0xffff, v40  }
0xdc: {  	v51 =	vadd.s32 v5, v34;
	v33 =	vld [tilespmem:s0+$0xFFFFFE80]  }
0xdd: {  	v52 =	vadd.s32 v6, v34;
	v36 =	vld [tilespmem:s0+$0xFFFFFE90]  }
0xde: {  	v53 =	vadd.s32 v7, v34;
	v38 =	vld [tilespmem:s0+$0xFFFFFEA0]  }
0xdf: {  	s17 =	sadd.s32 $0x2, s2;
	v34 =	vadd.s32 v8, v34;
	v40 =	vld [tilespmem:s0+$0xFFFFFEB0]  }
0xe0: {  	v54 =	vmov s17  }
0xe1: {  	v55 =	vshrl.u32 v54, $0x3;
	[tilespmem:v51+s22+$0x0] =	vst.idx.msk $0xffff, v33  }
0xe2: {  	v33 =	vshll.u32 v55, v1;
	[tilespmem:v52+s22+$0x0] =	vst.idx.msk $0xffff, v36  }
0xe3: {  	v33 =	vbroadcast v33, $0x0;
	[tilespmem:v53+s22+$0x0] =	vst.idx.msk $0xffff, v38  }
0xe4: {  	[tilespmem:v34+s22+$0x0] =	vst.idx.msk $0xffff, v40  }
0xe5: {  	v56 =	vadd.s32 v9, v33;
	v34 =	vld [tilespmem:s0+$0xFFFFFF00]  }
0xe6: {  	v57 =	vadd.s32 v10, v33;
	v36 =	vld [tilespmem:s0+$0xFFFFFF10]  }
0xe7: {  	v58 =	vadd.s32 v11, v33;
	v38 =	vld [tilespmem:s0+$0xFFFFFF20]  }
0xe8: {  	s18 =	sadd.s32 $0x3, s2;
	v33 =	vadd.s32 v12, v33;
	v40 =	vld [tilespmem:s0+$0xFFFFFF30]  }
0xe9: {  	v59 =	vmov s18  }
0xea: {  	v60 =	vshrl.u32 v59, $0x3;
	[tilespmem:v56+s22+$0x0] =	vst.idx.msk $0xffff, v34  }
0xeb: {  	v34 =	vshll.u32 v60, v1;
	[tilespmem:v57+s22+$0x0] =	vst.idx.msk $0xffff, v36  }
0xec: {  	v34 =	vbroadcast v34, $0x0;
	[tilespmem:v58+s22+$0x0] =	vst.idx.msk $0xffff, v38  }
0xed: {  	[tilespmem:v33+s22+$0x0] =	vst.idx.msk $0xffff, v40  }
0xee: {  	v61 =	vadd.s32 v13, v34;
	v33 =	vld [tilespmem:s0+$0xFFFFFF80]  }
0xef: {  	v62 =	vadd.s32 v14, v34;
	v36 =	vld [tilespmem:s0+$0xFFFFFF90]  }
0xf0: {  	v63 =	vadd.s32 v15, v34;
	v38 =	vld [tilespmem:s0+$0xFFFFFFA0]  }
0xf1: {  	s7 =	sadd.s32 $0x4, s2;
	v34 =	vadd.s32 v16, v34;
	v40 =	vld [tilespmem:s0+$0xFFFFFFB0]  }
0xf2: {  	v44 =	vmov s7  }
0xf3: {  	v45 =	vshrl.u32 v44, $0x3;
	[tilespmem:v61+s22+$0x0] =	vst.idx.msk $0xffff, v33  }
0xf4: {  	v33 =	vshll.u32 v45, v1;
	[tilespmem:v62+s22+$0x0] =	vst.idx.msk $0xffff, v36  }
0xf5: {  	v33 =	vbroadcast v33, $0x0;
	[tilespmem:v63+s22+$0x0] =	vst.idx.msk $0xffff, v38  }
0xf6: {  	[tilespmem:v34+s22+$0x0] =	vst.idx.msk $0xffff, v40  }
0xf7: {  	v46 =	vadd.s32 v17, v33;
	v34 =	vld [tilespmem:s0+$0x0]  }
0xf8: {  	v47 =	vadd.s32 v18, v33;
	v36 =	vld [tilespmem:s0+$0x10]  }
0xf9: {  	v48 =	vadd.s32 v19, v33;
	v38 =	vld [tilespmem:s0+$0x20]  }
0xfa: {  	s17 =	sadd.s32 $0x5, s2;
	v33 =	vadd.s32 v20, v33;
	v40 =	vld [tilespmem:s0+$0x30]  }
0xfb: {  	v49 =	vmov s17  }
0xfc: {  	v50 =	vshrl.u32 v49, $0x3;
	[tilespmem:v46+s22+$0x0] =	vst.idx.msk $0xffff, v34  }
0xfd: {  	v34 =	vshll.u32 v50, v1;
	[tilespmem:v47+s22+$0x0] =	vst.idx.msk $0xffff, v36  }
0xfe: {  	v34 =	vbroadcast v34, $0x0;
	[tilespmem:v48+s22+$0x0] =	vst.idx.msk $0xffff, v38  }
0xff: {  	[tilespmem:v33+s22+$0x0] =	vst.idx.msk $0xffff, v40  }
0x100: {  	v51 =	vadd.s32 v21, v34;
	v33 =	vld [tilespmem:s0+$0x80]  }
0x101: {  	v52 =	vadd.s32 v22, v34;
	v36 =	vld [tilespmem:s0+$0x90]  }
0x102: {  	v53 =	vadd.s32 v23, v34;
	v38 =	vld [tilespmem:s0+$0xA0]  }
0x103: {  	s18 =	sadd.s32 $0x6, s2;
	v34 =	vadd.s32 v24, v34;
	v40 =	vld [tilespmem:s0+$0xB0]  }
0x104: {  	v54 =	vmov s18  }
0x105: {  	v55 =	vshrl.u32 v54, $0x3;
	[tilespmem:v51+s22+$0x0] =	vst.idx.msk $0xffff, v33  }
0x106: {  	v33 =	vshll.u32 v55, v1;
	[tilespmem:v52+s22+$0x0] =	vst.idx.msk $0xffff, v36  }
0x107: {  	v33 =	vbroadcast v33, $0x0;
	[tilespmem:v53+s22+$0x0] =	vst.idx.msk $0xffff, v38  }
0x108: {  	[tilespmem:v34+s22+$0x0] =	vst.idx.msk $0xffff, v40  }
0x109: {  	v56 =	vadd.s32 v25, v33;
	v34 =	vld [tilespmem:s0+$0x100]  }
0x10a: {  	v57 =	vadd.s32 v26, v33;
	v36 =	vld [tilespmem:s0+$0x110]  }
0x10b: {  	v58 =	vadd.s32 v27, v33;
	v38 =	vld [tilespmem:s0+$0x120]  }
0x10c: {  	s7 =	sadd.s32 $0x7, s2;
	v33 =	vadd.s32 v28, v33;
	v40 =	vld [tilespmem:s0+$0x130]  }
0x10d: {  	v59 =	vmov s7  }
0x10e: {  	v60 =	vshrl.u32 v59, $0x3;
	[tilespmem:v56+s22+$0x0] =	vst.idx.msk $0xffff, v34  }
0x10f: {  	v34 =	vshll.u32 v60, v1;
	[tilespmem:v57+s22+$0x0] =	vst.idx.msk $0xffff, v36  }
0x110: {  	v34 =	vbroadcast v34, $0x0;
	[tilespmem:v58+s22+$0x0] =	vst.idx.msk $0xffff, v38  }
0x111: {  	[tilespmem:v33+s22+$0x0] =	vst.idx.msk $0xffff, v40  }
0x112: {  	v61 =	vadd.s32 v29, v34;
	v33 =	vld [tilespmem:s0+$0x180]  }
0x113: {  	v62 =	vadd.s32 v30, v34;
	v36 =	vld [tilespmem:s0+$0x190]  }
0x114: {  	v63 =	vadd.s32 v31, v34;
	v38 =	vld [tilespmem:s0+$0x1A0]  }
0x115: {  	v34 =	vadd.s32 v32, v34;
	v40 =	vld [tilespmem:s0+$0x1B0];
	_ =	sdelay $0x1  }
0x116: {  	s17 =	sshll.u32 s29, $0x13;
	[tilespmem:v61+s22+$0x0] =	vst.idx.msk $0xffff, v33  }
0x117: {  	s0 =	sor.u32 s5, s17;
	[tilespmem:v62+s22+$0x0] =	vst.idx.msk $0xffff, v36  }
0x118: {  	s0 =	sshrl.u32 s0, $0x3;
	[tilespmem:v63+s22+$0x0] =	vst.idx.msk $0xffff, v38  }
0x119: {  	s18 =	simm.s32 $0x10480;
	s1 =	sadd.s32 s3, s0;
	[tilespmem:v34+s22+$0x0] =	vst.idx.msk $0xffff, v40  }
0x11a: {  	[hbm4b:s1+s4] =	stream.linear.scatter [tilespmem:s18], [sflag:$0x3], $0x80, $0x38;
	[tilespmem:$0x14880] =	vst v63  }
0x11b: {  	s2 =	simm.s32 $0x10508;
	s7 =	sadd.s32 $0x10, s1  }
0x11c: {  	[hbm4b:s7+s4] =	stream.linear.scatter [tilespmem:s2], [sflag:$0x3], $0x80, $0x38;
	[tilespmem:$0x14880] =	vst v63  }
0x11d: {  	s17 =	simm.s32 $0x10590;
	s18 =	sadd.s32 $0x20, s1  }
0x11e: {  	[hbm4b:s18+s4] =	stream.linear.scatter [tilespmem:s17], [sflag:$0x3], $0x80, $0x38;
	[tilespmem:$0x14880] =	vst v63  }
0x11f: {  	s2 =	simm.s32 $0x10618;
	s7 =	sadd.s32 $0x30, s1  }
0x120: {  	[hbm4b:s7+s4] =	stream.linear.scatter [tilespmem:s2], [sflag:$0x3], $0x80, $0x38;
	[tilespmem:$0x14880] =	vst v63  }
0x121: {  	s17 =	simm.s32 $0x106A0;
	s18 =	sadd.s32 $0x40, s1  }
0x122: {  	[hbm4b:s18+s4] =	stream.linear.scatter [tilespmem:s17], [sflag:$0x3], $0x80, $0x38;
	[tilespmem:$0x14880] =	vst v63  }
0x123: {  	s0 =	simm.s32 $0x440;
	s2 =	simm.s32 $0x10728;
	s7 =	sadd.s32 $0x50, s1  }
0x124: {  	[hbm4b:s7+s4] =	stream.linear.scatter [tilespmem:s2], [sflag:$0x3], $0x80, $0x38;
	[tilespmem:$0x14880] =	vst v63  }
0x125: {  	s17 =	simm.s32 $0x107B0;
	s18 =	sadd.s32 $0x60, s1;
	s2 =	simm.s32 $0x2200  }
0x126: {  	[hbm4b:s18+s4] =	stream.linear.scatter [tilespmem:s17], [sflag:$0x3], $0x80, $0x38;
	[tilespmem:$0x14880] =	vst v63  }
0x127: {  	s17 =	simm.s32 $0x10838;
	s18 =	sadd.s32 $0x70, s1;
	s1 =	sadd.s32 $0x1000, s1  }
.LBB2_7:
0x128: {  	[hbm4b:s18+s4] =	stream.linear.scatter [tilespmem:s17], [sflag:$0x3], $0x80, $0x38;
	[tilespmem:$0x14880] =	vst v63  }
0x129: {  	s17 =	smov.u32 s0;
	s0 =	smov.u32 s2  }
0x12a: {  	s7 =	sadd.s32 $0x1100, s2;
	s0 =	sshra.s32 s0, $0x2;
	s18 =	sadd.s32 $0x10480, s17  }
0x12b: {  	[hbm4b:s1+s4] =	stream.linear.scatter [tilespmem:s18], [sflag:$0x3], $0x80, $0x38;
	[tilespmem:$0x14880] =	vst v63  }
0x12c: {  	p1 =	sne.s32 s2, $0x7700;
	s2 =	sadd.s32 $0x10508, s17;
	s18 =	sadd.s32 $0x10, s1  }
0x12d: {  	[hbm4b:s18+s4] =	stream.linear.scatter [tilespmem:s2], [sflag:$0x3], $0x80, $0x38;
	[tilespmem:$0x14880] =	vst v63  }
0x12e: {  	s2 =	sadd.s32 $0x10590, s17;
	s18 =	sadd.s32 $0x20, s1  }
0x12f: {  	[hbm4b:s18+s4] =	stream.linear.scatter [tilespmem:s2], [sflag:$0x3], $0x80, $0x38;
	[tilespmem:$0x14880] =	vst v63  }
0x130: {  	s2 =	sadd.s32 $0x10618, s17;
	s18 =	sadd.s32 $0x30, s1  }
0x131: {  	[hbm4b:s18+s4] =	stream.linear.scatter [tilespmem:s2], [sflag:$0x3], $0x80, $0x38;
	[tilespmem:$0x14880] =	vst v63  }
0x132: {  	s2 =	sadd.s32 $0x106A0, s17;
	s18 =	sadd.s32 $0x40, s1  }
0x133: {  	[hbm4b:s18+s4] =	stream.linear.scatter [tilespmem:s2], [sflag:$0x3], $0x80, $0x38;
	[tilespmem:$0x14880] =	vst v63  }
.Ltmp2:
0x134: {  	s2 =	sadd.s32 $0x10728, s17;
	s18 =	sadd.s32 $0x50, s1;
	(pc) =	sbr.rel @p1 .LBB2_7-.Ltmp2, $4  }
0x135: {  	[hbm4b:s18+s4] =	stream.linear.scatter [tilespmem:s2], [sflag:$0x3], $0x80, $0x38;
	[tilespmem:$0x14880] =	vst v63  }
0x136: {  	s2 =	sadd.s32 $0x107B0, s17;
	s18 =	sadd.s32 $0x60, s1;
	s17 =	sadd.s32 $0x10838, s17  }
0x137: {  	[hbm4b:s18+s4] =	stream.linear.scatter [tilespmem:s2], [sflag:$0x3], $0x80, $0x38;
	[tilespmem:$0x14880] =	vst v63  }
0x138: {  	s18 =	sadd.s32 $0x70, s1;
	s1 =	sadd.s32 $0x1000, s1;
	s2 =	smov.u32 s7  }
0x139: {  	[hbm4b:s18+s4] =	stream.linear.scatter [tilespmem:s17], [sflag:$0x3], $0x80, $0x38;
	[tilespmem:$0x14880] =	vst v63  }
0x13a: {  	s2 =	sadd.s32 $0x10480, s0  }
0x13b: {  	[hbm4b:s1+s4] =	stream.linear.scatter [tilespmem:s2], [sflag:$0x3], $0x80, $0x38;
	[tilespmem:$0x14880] =	vst v63  }
0x13c: {  	s18 =	sadd.s32 $0x10508, s0;
	s7 =	sadd.s32 $0x10, s1  }
0x13d: {  	[hbm4b:s7+s4] =	stream.linear.scatter [tilespmem:s18], [sflag:$0x3], $0x80, $0x38;
	[tilespmem:$0x14880] =	vst v63  }
0x13e: {  	s17 =	sadd.s32 $0x10590, s0;
	s18 =	sadd.s32 $0x20, s1  }
0x13f: {  	[hbm4b:s18+s4] =	stream.linear.scatter [tilespmem:s17], [sflag:$0x3], $0x80, $0x38;
	[tilespmem:$0x14880] =	vst v63  }
0x140: {  	s17 =	sadd.s32 $0x10618, s0;
	s18 =	sadd.s32 $0x30, s1  }
0x141: {  	[hbm4b:s18+s4] =	stream.linear.scatter [tilespmem:s17], [sflag:$0x3], $0x80, $0x38;
	[tilespmem:$0x14880] =	vst v63  }
0x142: {  	s17 =	sadd.s32 $0x106A0, s0;
	s18 =	sadd.s32 $0x40, s1  }
0x143: {  	[hbm4b:s18+s4] =	stream.linear.scatter [tilespmem:s17], [sflag:$0x3], $0x80, $0x38;
	[tilespmem:$0x14880] =	vst v63  }
0x144: {  	p1 =	sne.s32 s29, $0x63;
	s17 =	sadd.s32 $0x10728, s0;
	s18 =	sadd.s32 $0x50, s1  }
0x145: {  	[hbm4b:s18+s4] =	stream.linear.scatter [tilespmem:s17], [sflag:$0x3], $0x80, $0x38;
	[tilespmem:$0x14880] =	vst v63  }
.Ltmp3:
0x146: {  	_ = 	snop;
	(pc) =	sbr.rel @p1 .LBB2_10-.Ltmp3, $4  }
0x147: {  	s17 =	sadd.s32 $0x107B0, s0;
	s18 =	sadd.s32 $0x60, s1  }
0x148: {  	[hbm4b:s18+s4] =	stream.linear.scatter [tilespmem:s17], [sflag:$0x3], $0x80, $0x38;
	[tilespmem:$0x14880] =	vst v63  }
0x149: {  	s17 =	sadd.s32 $0x10838, s0;
	s18 =	sadd.s32 $0x70, s1  }
0x14a: {  	[hbm4b:s18+s4] =	stream.linear.scatter [tilespmem:s17], [sflag:$0x3], $0x80, $0x38;
	[tilespmem:$0x14880] =	vst v63  }
.Ltmp4:
0x14b: {  	(pc) =	sbr.rel .LBB2_11-.Ltmp4, $4  }
0x14c: {  	_ = 	snop  }
0x14d: {  	_ =	swait.ge [sflag:s23], $0x4000  }
0x14e: {  	[sflag:s23] =	ssyncset.done $0x0  }
0x14f: {  	[sflag:s23] =	ssyncadd.s32 $0xFFFFC000  }
.LBB2_10:
0x150: {  	s0 =	sshll.u32 s31, $0x7  }
0x151: {  	s0 =	sadd.s32 $0x100, s0  }
0x152: {  	s0 =	sand.u32 $0xFF00, s0  }
.Ltmp5:
0x153: {  	s0 =	sadd.s32 $0x2080, s0;
	(pc) =	sbr.rel @p0 .LBB2_12-.Ltmp5, $4  }
0x154: {  	[tilespmem:s20], [sflag:$0x1] =	stream.indirect.gather [hbm4b:s6+s14], $0x80, s0, s14, $0xb8;
	[tilespmem:$0x14880] =	vst v63  }
0x155: {  	_ =	swait.ge [sflag:s23], $0x4000  }
0x156: {  	[sflag:s23] =	ssyncset.done $0x0  }
0x157: {  	[sflag:s23] =	ssyncadd.s32 $0xFFFFC000  }
.LBB2_11:
0x158: {  	_ =	swait.ge [sflag:s24], $0x2000  }
0x159: {  	[sflag:s24] =	ssyncset.done $0x0  }
0x15a: {  	[sflag:s24] =	ssyncadd.s32 $0xFFFFE000  }
.LBB2_12:
0x15b: {  	s0 =	simm.s32 $0x0  }
0x15c: {  	v33 =	vmov s0  }
0x15d: {  	v33 =	vshrl.u32 v33, $0x3  }
0x15e: {  	v33 =	vshll.u32 v33, v1  }
0x15f: {  	v33 =	vbroadcast v33, $0x0  }
0x160: {  	s0 =	simm.s32 $0xC680  }
0x161: {  	v34 =	vld [tilespmem:s0+$0xFFFFFE00];
	v35 =	vadd.s32 v0, v33  }
0x162: {  	v36 =	vld [tilespmem:s0+$0xFFFFFE10];
	v37 =	vadd.s32 v2, v33  }
0x163: {  	v38 =	vld [tilespmem:s0+$0xFFFFFE20];
	v39 =	vadd.s32 v3, v33  }
0x164: {  	s1 =	simm.s32 $0x1;
	v40 =	vld [tilespmem:s0+$0xFFFFFE30];
	v33 =	vadd.s32 v4, v33  }
0x165: {  	v41 =	vmov s1  }
0x166: {  	v47 =	vshrl.u32 v41, $0x3;
	[tilespmem:v35+s25+$0x0] =	vst.idx.msk $0xffff, v34  }
0x167: {  	v34 =	vshll.u32 v47, v1;
	[tilespmem:v37+s25+$0x0] =	vst.idx.msk $0xffff, v36  }
0x168: {  	v34 =	vbroadcast v34, $0x0;
	[tilespmem:v39+s25+$0x0] =	vst.idx.msk $0xffff, v38  }
0x169: {  	[tilespmem:v33+s25+$0x0] =	vst.idx.msk $0xffff, v40  }
0x16a: {  	v48 =	vadd.s32 v5, v34;
	v33 =	vld [tilespmem:s0+$0xFFFFFE80]  }
0x16b: {  	v49 =	vadd.s32 v6, v34;
	v36 =	vld [tilespmem:s0+$0xFFFFFE90]  }
0x16c: {  	v50 =	vadd.s32 v7, v34;
	v38 =	vld [tilespmem:s0+$0xFFFFFEA0]  }
0x16d: {  	s31 =	simm.s32 $0x2;
	v34 =	vadd.s32 v8, v34;
	v40 =	vld [tilespmem:s0+$0xFFFFFEB0]  }
0x16e: {  	v51 =	vmov s31  }
0x16f: {  	v52 =	vshrl.u32 v51, $0x3;
	[tilespmem:v48+s25+$0x0] =	vst.idx.msk $0xffff, v33  }
0x170: {  	v33 =	vshll.u32 v52, v1;
	[tilespmem:v49+s25+$0x0] =	vst.idx.msk $0xffff, v36  }
0x171: {  	v33 =	vbroadcast v33, $0x0;
	[tilespmem:v50+s25+$0x0] =	vst.idx.msk $0xffff, v38  }
0x172: {  	[tilespmem:v34+s25+$0x0] =	vst.idx.msk $0xffff, v40  }
0x173: {  	v53 =	vadd.s32 v9, v33;
	v34 =	vld [tilespmem:s0+$0xFFFFFF00]  }
0x174: {  	v54 =	vadd.s32 v10, v33;
	v36 =	vld [tilespmem:s0+$0xFFFFFF10]  }
0x175: {  	v55 =	vadd.s32 v11, v33;
	v38 =	vld [tilespmem:s0+$0xFFFFFF20]  }
0x176: {  	s2 =	simm.s32 $0x3;
	v33 =	vadd.s32 v12, v33;
	v40 =	vld [tilespmem:s0+$0xFFFFFF30]  }
0x177: {  	v56 =	vmov s2  }
0x178: {  	v57 =	vshrl.u32 v56, $0x3;
	[tilespmem:v53+s25+$0x0] =	vst.idx.msk $0xffff, v34  }
0x179: {  	v34 =	vshll.u32 v57, v1;
	[tilespmem:v54+s25+$0x0] =	vst.idx.msk $0xffff, v36  }
0x17a: {  	v34 =	vbroadcast v34, $0x0;
	[tilespmem:v55+s25+$0x0] =	vst.idx.msk $0xffff, v38  }
0x17b: {  	[tilespmem:v33+s25+$0x0] =	vst.idx.msk $0xffff, v40  }
0x17c: {  	v58 =	vadd.s32 v13, v34;
	v33 =	vld [tilespmem:s0+$0xFFFFFF80]  }
0x17d: {  	v59 =	vadd.s32 v14, v34;
	v36 =	vld [tilespmem:s0+$0xFFFFFF90]  }
0x17e: {  	v60 =	vadd.s32 v15, v34;
	v38 =	vld [tilespmem:s0+$0xFFFFFFA0]  }
0x17f: {  	s7 =	simm.s32 $0x4;
	v34 =	vadd.s32 v16, v34;
	v40 =	vld [tilespmem:s0+$0xFFFFFFB0]  }
0x180: {  	v61 =	vmov s7  }
0x181: {  	v62 =	vshrl.u32 v61, $0x3;
	[tilespmem:v58+s25+$0x0] =	vst.idx.msk $0xffff, v33  }
0x182: {  	v33 =	vshll.u32 v62, v1;
	[tilespmem:v59+s25+$0x0] =	vst.idx.msk $0xffff, v36  }
0x183: {  	v33 =	vbroadcast v33, $0x0;
	[tilespmem:v60+s25+$0x0] =	vst.idx.msk $0xffff, v38  }
0x184: {  	[tilespmem:v34+s25+$0x0] =	vst.idx.msk $0xffff, v40  }
0x185: {  	v63 =	vadd.s32 v17, v33;
	v34 =	vld [tilespmem:s0+$0x0]  }
0x186: {  	v44 =	vadd.s32 v18, v33;
	v36 =	vld [tilespmem:s0+$0x10]  }
0x187: {  	v45 =	vadd.s32 v19, v33;
	v38 =	vld [tilespmem:s0+$0x20]  }
0x188: {  	s17 =	simm.s32 $0x5;
	v33 =	vadd.s32 v20, v33;
	v40 =	vld [tilespmem:s0+$0x30]  }
0x189: {  	v46 =	vmov s17  }
0x18a: {  	v47 =	vshrl.u32 v46, $0x3;
	[tilespmem:v63+s25+$0x0] =	vst.idx.msk $0xffff, v34  }
0x18b: {  	v34 =	vshll.u32 v47, v1;
	[tilespmem:v44+s25+$0x0] =	vst.idx.msk $0xffff, v36  }
0x18c: {  	v34 =	vbroadcast v34, $0x0;
	[tilespmem:v45+s25+$0x0] =	vst.idx.msk $0xffff, v38  }
0x18d: {  	[tilespmem:v33+s25+$0x0] =	vst.idx.msk $0xffff, v40  }
0x18e: {  	v48 =	vadd.s32 v21, v34;
	v33 =	vld [tilespmem:s0+$0x80]  }
0x18f: {  	v49 =	vadd.s32 v22, v34;
	v36 =	vld [tilespmem:s0+$0x90]  }
0x190: {  	v50 =	vadd.s32 v23, v34;
	v38 =	vld [tilespmem:s0+$0xA0]  }
0x191: {  	s18 =	simm.s32 $0x6;
	v34 =	vadd.s32 v24, v34;
	v40 =	vld [tilespmem:s0+$0xB0]  }
0x192: {  	v51 =	vmov s18  }
0x193: {  	v52 =	vshrl.u32 v51, $0x3;
	[tilespmem:v48+s25+$0x0] =	vst.idx.msk $0xffff, v33  }
0x194: {  	v33 =	vshll.u32 v52, v1;
	[tilespmem:v49+s25+$0x0] =	vst.idx.msk $0xffff, v36  }
0x195: {  	v33 =	vbroadcast v33, $0x0;
	[tilespmem:v50+s25+$0x0] =	vst.idx.msk $0xffff, v38  }
0x196: {  	[tilespmem:v34+s25+$0x0] =	vst.idx.msk $0xffff, v40  }
0x197: {  	v53 =	vadd.s32 v25, v33;
	v34 =	vld [tilespmem:s0+$0x100]  }
0x198: {  	v54 =	vadd.s32 v26, v33;
	v36 =	vld [tilespmem:s0+$0x110]  }
0x199: {  	v55 =	vadd.s32 v27, v33;
	v38 =	vld [tilespmem:s0+$0x120]  }
0x19a: {  	s31 =	simm.s32 $0x7;
	v33 =	vadd.s32 v28, v33;
	v40 =	vld [tilespmem:s0+$0x130]  }
0x19b: {  	v56 =	vmov s31  }
0x19c: {  	v57 =	vshrl.u32 v56, $0x3;
	[tilespmem:v53+s25+$0x0] =	vst.idx.msk $0xffff, v34  }
0x19d: {  	v34 =	vshll.u32 v57, v1;
	[tilespmem:v54+s25+$0x0] =	vst.idx.msk $0xffff, v36  }
0x19e: {  	v58 =	vbroadcast v34, $0x0;
	[tilespmem:v55+s25+$0x0] =	vst.idx.msk $0xffff, v38  }
0x19f: {  	[tilespmem:v33+s25+$0x0] =	vst.idx.msk $0xffff, v40  }
0x1a0: {  	v59 =	vadd.s32 v29, v58;
	v33 =	vld [tilespmem:s0+$0x180]  }
0x1a1: {  	v60 =	vadd.s32 v30, v58;
	v37 =	vld [tilespmem:s0+$0x190]  }
0x1a2: {  	v61 =	vadd.s32 v31, v58;
	v39 =	vld [tilespmem:s0+$0x1A0]  }
0x1a3: {  	s2 =	simm.s32 $0x8  }
0x1a4: {  	v62 =	vmov s2;
	v35 =	vadd.s32 v32, v58;
	v34 =	vld [tilespmem:s0+$0x1B0]  }
0x1a5: {  	v41 =	vshrl.u32 v62, $0x3;
	[tilespmem:v59+s25+$0x0] =	vst.idx.msk $0xffff, v33  }
0x1a6: {  	v63 =	vshll.u32 v41, v1;
	[tilespmem:v60+s25+$0x0] =	vst.idx.msk $0xffff, v37  }
0x1a7: {  	s1 =	simm.s32 $0x10;
	v33 =	vbroadcast v63, $0x0;
	[tilespmem:v61+s25+$0x0] =	vst.idx.msk $0xffff, v39  }
.LBB2_13:
0x1a8: {  	p0 =	slt.u32 s1, $0x78  }
0x1a9: {  	[tilespmem:v35+s25+$0x0] =	vst.idx.msk $0xffff, v34;
	s0 =	sadd.s32 $0x400, s0;
	s17 =	smov.u32 s1;
	s1 =	sadd.s32 $0x8, s1  }
0x1aa: {  	v34 =	vld [tilespmem:s0+$0xFFFFFE00];
	v35 =	vadd.s32 v0, v33  }
0x1ab: {  	v37 =	vadd.s32 v2, v33;
	v36 =	vld [tilespmem:s0+$0xFFFFFE10]  }
0x1ac: {  	v39 =	vadd.s32 v3, v33;
	v38 =	vld [tilespmem:s0+$0xFFFFFE20]  }
0x1ad: {  	s7 =	sadd.s32 $0x1, s2;
	v33 =	vadd.s32 v4, v33;
	v40 =	vld [tilespmem:s0+$0xFFFFFE30]  }
0x1ae: {  	v41 =	vmov s7  }
0x1af: {  	[tilespmem:v35+s25+$0x0] =	vst.idx.msk $0xffff, v34;
	v34 =	vshrl.u32 v41, $0x3  }
0x1b0: {  	[tilespmem:v37+s25+$0x0] =	vst.idx.msk $0xffff, v36;
	v34 =	vshll.u32 v34, v1  }
0x1b1: {  	[tilespmem:v39+s25+$0x0] =	vst.idx.msk $0xffff, v38;
	v34 =	vbroadcast v34, $0x0  }
0x1b2: {  	[tilespmem:v33+s25+$0x0] =	vst.idx.msk $0xffff, v40  }
0x1b3: {  	v33 =	vld [tilespmem:s0+$0xFFFFFE80];
	v35 =	vadd.s32 v5, v34  }
0x1b4: {  	v37 =	vadd.s32 v6, v34;
	v36 =	vld [tilespmem:s0+$0xFFFFFE90]  }
0x1b5: {  	v39 =	vadd.s32 v7, v34;
	v38 =	vld [tilespmem:s0+$0xFFFFFEA0]  }
0x1b6: {  	s7 =	sadd.s32 $0x2, s2;
	v34 =	vadd.s32 v8, v34;
	v40 =	vld [tilespmem:s0+$0xFFFFFEB0]  }
0x1b7: {  	v41 =	vmov s7  }
0x1b8: {  	[tilespmem:v35+s25+$0x0] =	vst.idx.msk $0xffff, v33;
	v33 =	vshrl.u32 v41, $0x3  }
0x1b9: {  	[tilespmem:v37+s25+$0x0] =	vst.idx.msk $0xffff, v36;
	v33 =	vshll.u32 v33, v1  }
0x1ba: {  	[tilespmem:v39+s25+$0x0] =	vst.idx.msk $0xffff, v38;
	v33 =	vbroadcast v33, $0x0  }
0x1bb: {  	[tilespmem:v34+s25+$0x0] =	vst.idx.msk $0xffff, v40  }
0x1bc: {  	v34 =	vld [tilespmem:s0+$0xFFFFFF00];
	v35 =	vadd.s32 v9, v33  }
0x1bd: {  	v37 =	vadd.s32 v10, v33;
	v36 =	vld [tilespmem:s0+$0xFFFFFF10]  }
0x1be: {  	v39 =	vadd.s32 v11, v33;
	v38 =	vld [tilespmem:s0+$0xFFFFFF20]  }
0x1bf: {  	s7 =	sadd.s32 $0x3, s2;
	v33 =	vadd.s32 v12, v33;
	v40 =	vld [tilespmem:s0+$0xFFFFFF30]  }
0x1c0: {  	v41 =	vmov s7  }
0x1c1: {  	[tilespmem:v35+s25+$0x0] =	vst.idx.msk $0xffff, v34;
	v34 =	vshrl.u32 v41, $0x3  }
0x1c2: {  	[tilespmem:v37+s25+$0x0] =	vst.idx.msk $0xffff, v36;
	v34 =	vshll.u32 v34, v1  }
0x1c3: {  	[tilespmem:v39+s25+$0x0] =	vst.idx.msk $0xffff, v38;
	v34 =	vbroadcast v34, $0x0  }
0x1c4: {  	[tilespmem:v33+s25+$0x0] =	vst.idx.msk $0xffff, v40  }
0x1c5: {  	v33 =	vld [tilespmem:s0+$0xFFFFFF80];
	v35 =	vadd.s32 v13, v34  }
0x1c6: {  	v37 =	vadd.s32 v14, v34;
	v36 =	vld [tilespmem:s0+$0xFFFFFF90]  }
0x1c7: {  	v39 =	vadd.s32 v15, v34;
	v38 =	vld [tilespmem:s0+$0xFFFFFFA0]  }
0x1c8: {  	s7 =	sadd.s32 $0x4, s2;
	v34 =	vadd.s32 v16, v34;
	v40 =	vld [tilespmem:s0+$0xFFFFFFB0]  }
0x1c9: {  	v41 =	vmov s7  }
0x1ca: {  	[tilespmem:v35+s25+$0x0] =	vst.idx.msk $0xffff, v33;
	v33 =	vshrl.u32 v41, $0x3  }
0x1cb: {  	[tilespmem:v37+s25+$0x0] =	vst.idx.msk $0xffff, v36;
	v33 =	vshll.u32 v33, v1  }
0x1cc: {  	[tilespmem:v39+s25+$0x0] =	vst.idx.msk $0xffff, v38;
	v33 =	vbroadcast v33, $0x0  }
0x1cd: {  	[tilespmem:v34+s25+$0x0] =	vst.idx.msk $0xffff, v40  }
0x1ce: {  	v34 =	vld [tilespmem:s0+$0x0];
	v35 =	vadd.s32 v17, v33  }
0x1cf: {  	v37 =	vadd.s32 v18, v33;
	v36 =	vld [tilespmem:s0+$0x10]  }
0x1d0: {  	v39 =	vadd.s32 v19, v33;
	v38 =	vld [tilespmem:s0+$0x20]  }
0x1d1: {  	s7 =	sadd.s32 $0x5, s2;
	v33 =	vadd.s32 v20, v33;
	v40 =	vld [tilespmem:s0+$0x30]  }
0x1d2: {  	v41 =	vmov s7  }
0x1d3: {  	[tilespmem:v35+s25+$0x0] =	vst.idx.msk $0xffff, v34;
	v34 =	vshrl.u32 v41, $0x3  }
0x1d4: {  	[tilespmem:v37+s25+$0x0] =	vst.idx.msk $0xffff, v36;
	v34 =	vshll.u32 v34, v1  }
0x1d5: {  	[tilespmem:v39+s25+$0x0] =	vst.idx.msk $0xffff, v38;
	v34 =	vbroadcast v34, $0x0  }
0x1d6: {  	[tilespmem:v33+s25+$0x0] =	vst.idx.msk $0xffff, v40  }
0x1d7: {  	v33 =	vld [tilespmem:s0+$0x80];
	v35 =	vadd.s32 v21, v34  }
0x1d8: {  	v37 =	vadd.s32 v22, v34;
	v36 =	vld [tilespmem:s0+$0x90]  }
0x1d9: {  	v39 =	vadd.s32 v23, v34;
	v38 =	vld [tilespmem:s0+$0xA0]  }
0x1da: {  	s7 =	sadd.s32 $0x6, s2;
	v34 =	vadd.s32 v24, v34;
	v40 =	vld [tilespmem:s0+$0xB0]  }
0x1db: {  	v41 =	vmov s7  }
0x1dc: {  	[tilespmem:v35+s25+$0x0] =	vst.idx.msk $0xffff, v33;
	v33 =	vshrl.u32 v41, $0x3  }
0x1dd: {  	[tilespmem:v37+s25+$0x0] =	vst.idx.msk $0xffff, v36;
	v33 =	vshll.u32 v33, v1  }
0x1de: {  	[tilespmem:v39+s25+$0x0] =	vst.idx.msk $0xffff, v38;
	v33 =	vbroadcast v33, $0x0  }
0x1df: {  	[tilespmem:v34+s25+$0x0] =	vst.idx.msk $0xffff, v40  }
0x1e0: {  	v34 =	vld [tilespmem:s0+$0x100];
	v35 =	vadd.s32 v25, v33  }
0x1e1: {  	v37 =	vadd.s32 v26, v33;
	v36 =	vld [tilespmem:s0+$0x110]  }
0x1e2: {  	v39 =	vadd.s32 v27, v33;
	v38 =	vld [tilespmem:s0+$0x120]  }
0x1e3: {  	s7 =	sadd.s32 $0x7, s2;
	s2 =	smov.u32 s17;
	v33 =	vadd.s32 v28, v33;
	v40 =	vld [tilespmem:s0+$0x130]  }
0x1e4: {  	v41 =	vmov s7  }
0x1e5: {  	[tilespmem:v35+s25+$0x0] =	vst.idx.msk $0xffff, v34;
	v34 =	vshrl.u32 v41, $0x3  }
0x1e6: {  	[tilespmem:v37+s25+$0x0] =	vst.idx.msk $0xffff, v36;
	v34 =	vshll.u32 v34, v1  }
0x1e7: {  	[tilespmem:v39+s25+$0x0] =	vst.idx.msk $0xffff, v38;
	v35 =	vbroadcast v34, $0x0  }
0x1e8: {  	[tilespmem:v33+s25+$0x0] =	vst.idx.msk $0xffff, v40  }
0x1e9: {  	v33 =	vld [tilespmem:s0+$0x180];
	v36 =	vadd.s32 v29, v35  }
0x1ea: {  	v38 =	vadd.s32 v30, v35;
	v37 =	vld [tilespmem:s0+$0x190]  }
0x1eb: {  	v40 =	vadd.s32 v31, v35;
	v39 =	vld [tilespmem:s0+$0x1A0]  }
.Ltmp6:
0x1ec: {  	v35 =	vadd.s32 v32, v35;
	v34 =	vld [tilespmem:s0+$0x1B0];
	(pc) =	sbr.rel @p0 .LBB2_13-.Ltmp6, $4  }
0x1ed: {  	v41 =	vmov s2  }
0x1ee: {  	v41 =	vshrl.u32 v41, $0x3;
	[tilespmem:v36+s25+$0x0] =	vst.idx.msk $0xffff, v33  }
0x1ef: {  	v33 =	vshll.u32 v41, v1;
	[tilespmem:v38+s25+$0x0] =	vst.idx.msk $0xffff, v37  }
0x1f0: {  	v33 =	vbroadcast v33, $0x0;
	[tilespmem:v40+s25+$0x0] =	vst.idx.msk $0xffff, v39  }
0x1f1: {  	_ =	sdelay $0x3  }
0x1f2: {  	[tilespmem:v35+s25+$0x0] =	vst.idx.msk $0xffff, v34;
	s0 =	sadd.s32 $0x400, s0  }
0x1f3: {  	v34 =	vld [tilespmem:s0+$0xFFFFFE00];
	v48 =	vadd.s32 v0, v33  }
0x1f4: {  	v36 =	vld [tilespmem:s0+$0xFFFFFE10];
	v37 =	vadd.s32 v2, v33  }
0x1f5: {  	v38 =	vld [tilespmem:s0+$0xFFFFFE20];
	v39 =	vadd.s32 v3, v33  }
0x1f6: {  	s1 =	sadd.s32 $0x1, s2;
	v40 =	vld [tilespmem:s0+$0xFFFFFE30];
	v49 =	vadd.s32 v4, v33  }
0x1f7: {  	v41 =	vmov s1  }
0x1f8: {  	v50 =	vshrl.u32 v41, $0x3;
	[tilespmem:v48+s25+$0x0] =	vst.idx.msk $0xffff, v34  }
0x1f9: {  	v34 =	vshll.u32 v50, v1;
	[tilespmem:v37+s25+$0x0] =	vst.idx.msk $0xffff, v36  }
0x1fa: {  	v34 =	vbroadcast v34, $0x0;
	[tilespmem:v39+s25+$0x0] =	vst.idx.msk $0xffff, v38  }
0x1fb: {  	[tilespmem:v49+s25+$0x0] =	vst.idx.msk $0xffff, v40  }
0x1fc: {  	v51 =	vadd.s32 v5, v34;
	v33 =	vld [tilespmem:s0+$0xFFFFFE80]  }
0x1fd: {  	v52 =	vadd.s32 v6, v34;
	v36 =	vld [tilespmem:s0+$0xFFFFFE90]  }
0x1fe: {  	v53 =	vadd.s32 v7, v34;
	v38 =	vld [tilespmem:s0+$0xFFFFFEA0]  }
0x1ff: {  	s17 =	sadd.s32 $0x2, s2;
	v34 =	vadd.s32 v8, v34;
	v40 =	vld [tilespmem:s0+$0xFFFFFEB0]  }
0x200: {  	v54 =	vmov s17  }
0x201: {  	v55 =	vshrl.u32 v54, $0x3;
	[tilespmem:v51+s25+$0x0] =	vst.idx.msk $0xffff, v33  }
0x202: {  	v33 =	vshll.u32 v55, v1;
	[tilespmem:v52+s25+$0x0] =	vst.idx.msk $0xffff, v36  }
0x203: {  	v33 =	vbroadcast v33, $0x0;
	[tilespmem:v53+s25+$0x0] =	vst.idx.msk $0xffff, v38  }
0x204: {  	[tilespmem:v34+s25+$0x0] =	vst.idx.msk $0xffff, v40  }
0x205: {  	v56 =	vadd.s32 v9, v33;
	v34 =	vld [tilespmem:s0+$0xFFFFFF00]  }
0x206: {  	v57 =	vadd.s32 v10, v33;
	v36 =	vld [tilespmem:s0+$0xFFFFFF10]  }
0x207: {  	v58 =	vadd.s32 v11, v33;
	v38 =	vld [tilespmem:s0+$0xFFFFFF20]  }
0x208: {  	s18 =	sadd.s32 $0x3, s2;
	v33 =	vadd.s32 v12, v33;
	v40 =	vld [tilespmem:s0+$0xFFFFFF30]  }
0x209: {  	v59 =	vmov s18  }
0x20a: {  	v60 =	vshrl.u32 v59, $0x3;
	[tilespmem:v56+s25+$0x0] =	vst.idx.msk $0xffff, v34  }
0x20b: {  	v34 =	vshll.u32 v60, v1;
	[tilespmem:v57+s25+$0x0] =	vst.idx.msk $0xffff, v36  }
0x20c: {  	v34 =	vbroadcast v34, $0x0;
	[tilespmem:v58+s25+$0x0] =	vst.idx.msk $0xffff, v38  }
0x20d: {  	[tilespmem:v33+s25+$0x0] =	vst.idx.msk $0xffff, v40  }
0x20e: {  	v61 =	vadd.s32 v13, v34;
	v33 =	vld [tilespmem:s0+$0xFFFFFF80]  }
0x20f: {  	v62 =	vadd.s32 v14, v34;
	v36 =	vld [tilespmem:s0+$0xFFFFFF90]  }
0x210: {  	v63 =	vadd.s32 v15, v34;
	v38 =	vld [tilespmem:s0+$0xFFFFFFA0]  }
0x211: {  	s31 =	sadd.s32 $0x4, s2;
	v34 =	vadd.s32 v16, v34;
	v40 =	vld [tilespmem:s0+$0xFFFFFFB0]  }
0x212: {  	v44 =	vmov s31  }
0x213: {  	v45 =	vshrl.u32 v44, $0x3;
	[tilespmem:v61+s25+$0x0] =	vst.idx.msk $0xffff, v33  }
0x214: {  	v33 =	vshll.u32 v45, v1;
	[tilespmem:v62+s25+$0x0] =	vst.idx.msk $0xffff, v36  }
0x215: {  	v33 =	vbroadcast v33, $0x0;
	[tilespmem:v63+s25+$0x0] =	vst.idx.msk $0xffff, v38  }
0x216: {  	[tilespmem:v34+s25+$0x0] =	vst.idx.msk $0xffff, v40  }
0x217: {  	v46 =	vadd.s32 v17, v33;
	v34 =	vld [tilespmem:s0+$0x0]  }
0x218: {  	v47 =	vadd.s32 v18, v33;
	v36 =	vld [tilespmem:s0+$0x10]  }
0x219: {  	v48 =	vadd.s32 v19, v33;
	v38 =	vld [tilespmem:s0+$0x20]  }
0x21a: {  	s7 =	sadd.s32 $0x5, s2;
	v33 =	vadd.s32 v20, v33;
	v40 =	vld [tilespmem:s0+$0x30]  }
0x21b: {  	v49 =	vmov s7  }
0x21c: {  	v50 =	vshrl.u32 v49, $0x3;
	[tilespmem:v46+s25+$0x0] =	vst.idx.msk $0xffff, v34  }
0x21d: {  	v34 =	vshll.u32 v50, v1;
	[tilespmem:v47+s25+$0x0] =	vst.idx.msk $0xffff, v36  }
0x21e: {  	v34 =	vbroadcast v34, $0x0;
	[tilespmem:v48+s25+$0x0] =	vst.idx.msk $0xffff, v38  }
0x21f: {  	[tilespmem:v33+s25+$0x0] =	vst.idx.msk $0xffff, v40  }
0x220: {  	v51 =	vadd.s32 v21, v34;
	v33 =	vld [tilespmem:s0+$0x80]  }
0x221: {  	v52 =	vadd.s32 v22, v34;
	v36 =	vld [tilespmem:s0+$0x90]  }
0x222: {  	v53 =	vadd.s32 v23, v34;
	v38 =	vld [tilespmem:s0+$0xA0]  }
0x223: {  	s17 =	sadd.s32 $0x6, s2;
	v34 =	vadd.s32 v24, v34;
	v40 =	vld [tilespmem:s0+$0xB0]  }
0x224: {  	v54 =	vmov s17  }
0x225: {  	v55 =	vshrl.u32 v54, $0x3;
	[tilespmem:v51+s25+$0x0] =	vst.idx.msk $0xffff, v33  }
0x226: {  	v33 =	vshll.u32 v55, v1;
	[tilespmem:v52+s25+$0x0] =	vst.idx.msk $0xffff, v36  }
0x227: {  	v33 =	vbroadcast v33, $0x0;
	[tilespmem:v53+s25+$0x0] =	vst.idx.msk $0xffff, v38  }
0x228: {  	[tilespmem:v34+s25+$0x0] =	vst.idx.msk $0xffff, v40  }
0x229: {  	v56 =	vadd.s32 v25, v33;
	v34 =	vld [tilespmem:s0+$0x100]  }
0x22a: {  	v57 =	vadd.s32 v26, v33;
	v36 =	vld [tilespmem:s0+$0x110]  }
0x22b: {  	v58 =	vadd.s32 v27, v33;
	v38 =	vld [tilespmem:s0+$0x120]  }
0x22c: {  	s18 =	sadd.s32 $0x7, s2;
	v33 =	vadd.s32 v28, v33;
	v40 =	vld [tilespmem:s0+$0x130]  }
0x22d: {  	v59 =	vmov s18  }
0x22e: {  	v60 =	vshrl.u32 v59, $0x3;
	[tilespmem:v56+s25+$0x0] =	vst.idx.msk $0xffff, v34  }
0x22f: {  	v34 =	vshll.u32 v60, v1;
	[tilespmem:v57+s25+$0x0] =	vst.idx.msk $0xffff, v36  }
0x230: {  	v34 =	vbroadcast v34, $0x0;
	[tilespmem:v58+s25+$0x0] =	vst.idx.msk $0xffff, v38  }
0x231: {  	[tilespmem:v33+s25+$0x0] =	vst.idx.msk $0xffff, v40  }
0x232: {  	v61 =	vadd.s32 v29, v34;
	v33 =	vld [tilespmem:s0+$0x180]  }
0x233: {  	v62 =	vadd.s32 v30, v34;
	v36 =	vld [tilespmem:s0+$0x190]  }
0x234: {  	v63 =	vadd.s32 v31, v34;
	v38 =	vld [tilespmem:s0+$0x1A0]  }
0x235: {  	v34 =	vadd.s32 v32, v34;
	v40 =	vld [tilespmem:s0+$0x1B0];
	_ =	sdelay $0x1  }
0x236: {  	s30 =	sshll.u32 s30, $0x12;
	[tilespmem:v61+s25+$0x0] =	vst.idx.msk $0xffff, v33  }
0x237: {  	s0 =	sor.u32 s5, s30;
	[tilespmem:v62+s25+$0x0] =	vst.idx.msk $0xffff, v36  }
0x238: {  	s0 =	sshrl.u32 s0, $0x3;
	[tilespmem:v63+s25+$0x0] =	vst.idx.msk $0xffff, v38  }
0x239: {  	s31 =	simm.s32 $0x12680;
	s1 =	sadd.s32 s3, s0;
	[tilespmem:v34+s25+$0x0] =	vst.idx.msk $0xffff, v40  }
0x23a: {  	[hbm4b:s1+s4] =	stream.linear.scatter [tilespmem:s31], [sflag:$0x4], $0x80, $0x38;
	[tilespmem:$0x14880] =	vst v63  }
0x23b: {  	s2 =	simm.s32 $0x12708;
	s7 =	sadd.s32 $0x10, s1  }
0x23c: {  	[hbm4b:s7+s4] =	stream.linear.scatter [tilespmem:s2], [sflag:$0x4], $0x80, $0x38;
	[tilespmem:$0x14880] =	vst v63  }
0x23d: {  	s17 =	simm.s32 $0x12790;
	s30 =	simm.s32 $0x12818;
	s18 =	sadd.s32 $0x20, s1  }
0x23e: {  	[hbm4b:s18+s4] =	stream.linear.scatter [tilespmem:s17], [sflag:$0x4], $0x80, $0x38;
	[tilespmem:$0x14880] =	vst v63  }
0x23f: {  	s0 =	simm.s32 $0x440;
	s31 =	sadd.s32 $0x30, s1;
	s2 =	simm.s32 $0x128A0  }
0x240: {  	[hbm4b:s31+s4] =	stream.linear.scatter [tilespmem:s30], [sflag:$0x4], $0x80, $0x38;
	[tilespmem:$0x14880] =	vst v63  }
0x241: {  	s7 =	sadd.s32 $0x40, s1;
	s17 =	simm.s32 $0x12928;
	s18 =	sadd.s32 $0x50, s1  }
0x242: {  	[hbm4b:s7+s4] =	stream.linear.scatter [tilespmem:s2], [sflag:$0x4], $0x80, $0x38;
	[tilespmem:$0x14880] =	vst v63  }
0x243: {  	s30 =	simm.s32 $0x129B0;
	s31 =	sadd.s32 $0x60, s1;
	s2 =	simm.s32 $0x2200  }
0x244: {  	[hbm4b:s18+s4] =	stream.linear.scatter [tilespmem:s17], [sflag:$0x4], $0x80, $0x38;
	[tilespmem:$0x14880] =	vst v63  }
0x245: {  	s17 =	simm.s32 $0x12A38;
	s18 =	sadd.s32 $0x70, s1;
	s1 =	sadd.s32 $0x1000, s1  }
0x246: {  	[hbm4b:s31+s4] =	stream.linear.scatter [tilespmem:s30], [sflag:$0x4], $0x80, $0x38;
	[tilespmem:$0x14880] =	vst v63  }
.LBB2_15:
0x247: {  	[hbm4b:s18+s4] =	stream.linear.scatter [tilespmem:s17], [sflag:$0x4], $0x80, $0x38;
	[tilespmem:$0x14880] =	vst v63  }
0x248: {  	s7 =	smov.u32 s0;
	s0 =	smov.u32 s2  }
0x249: {  	s30 =	sadd.s32 $0x1100, s2;
	s0 =	sshra.s32 s0, $0x2;
	s17 =	sadd.s32 $0x12680, s7  }
0x24a: {  	[hbm4b:s1+s4] =	stream.linear.scatter [tilespmem:s17], [sflag:$0x4], $0x80, $0x38;
	[tilespmem:$0x14880] =	vst v63  }
0x24b: {  	p0 =	sne.s32 s2, $0x7700;
	s2 =	sadd.s32 $0x12708, s7;
	s17 =	sadd.s32 $0x10, s1  }
0x24c: {  	[hbm4b:s17+s4] =	stream.linear.scatter [tilespmem:s2], [sflag:$0x4], $0x80, $0x38;
	[tilespmem:$0x14880] =	vst v63  }
0x24d: {  	s2 =	sadd.s32 $0x12790, s7;
	s17 =	sadd.s32 $0x20, s1  }
0x24e: {  	[hbm4b:s17+s4] =	stream.linear.scatter [tilespmem:s2], [sflag:$0x4], $0x80, $0x38;
	[tilespmem:$0x14880] =	vst v63  }
0x24f: {  	s2 =	sadd.s32 $0x12818, s7;
	s17 =	sadd.s32 $0x30, s1  }
0x250: {  	[hbm4b:s17+s4] =	stream.linear.scatter [tilespmem:s2], [sflag:$0x4], $0x80, $0x38;
	[tilespmem:$0x14880] =	vst v63  }
0x251: {  	s2 =	sadd.s32 $0x128A0, s7;
	s17 =	sadd.s32 $0x40, s1  }
0x252: {  	[hbm4b:s17+s4] =	stream.linear.scatter [tilespmem:s2], [sflag:$0x4], $0x80, $0x38;
	[tilespmem:$0x14880] =	vst v63  }
.Ltmp7:
0x253: {  	s2 =	sadd.s32 $0x12928, s7;
	s17 =	sadd.s32 $0x50, s1;
	(pc) =	sbr.rel @p0 .LBB2_15-.Ltmp7, $4  }
0x254: {  	[hbm4b:s17+s4] =	stream.linear.scatter [tilespmem:s2], [sflag:$0x4], $0x80, $0x38;
	[tilespmem:$0x14880] =	vst v63  }
0x255: {  	s18 =	sadd.s32 $0x70, s1;
	s2 =	sadd.s32 $0x129B0, s7;
	s17 =	sadd.s32 $0x60, s1  }
0x256: {  	[hbm4b:s17+s4] =	stream.linear.scatter [tilespmem:s2], [sflag:$0x4], $0x80, $0x38;
	[tilespmem:$0x14880] =	vst v63  }
0x257: {  	s1 =	sadd.s32 $0x1000, s1;
	s17 =	sadd.s32 $0x12A38, s7;
	s2 =	smov.u32 s30  }
0x258: {  	[hbm4b:s18+s4] =	stream.linear.scatter [tilespmem:s17], [sflag:$0x4], $0x80, $0x38;
	[tilespmem:$0x14880] =	vst v63  }
0x259: {  	s2 =	sadd.s32 $0x12680, s0  }
0x25a: {  	[hbm4b:s1+s4] =	stream.linear.scatter [tilespmem:s2], [sflag:$0x4], $0x80, $0x38;
	[tilespmem:$0x14880] =	vst v63  }
0x25b: {  	s31 =	sadd.s32 $0x12708, s0;
	s7 =	sadd.s32 $0x10, s1  }
0x25c: {  	[hbm4b:s7+s4] =	stream.linear.scatter [tilespmem:s31], [sflag:$0x4], $0x80, $0x38;
	[tilespmem:$0x14880] =	vst v63  }
0x25d: {  	s17 =	sadd.s32 $0x12790, s0;
	s18 =	sadd.s32 $0x20, s1  }
0x25e: {  	[hbm4b:s18+s4] =	stream.linear.scatter [tilespmem:s17], [sflag:$0x4], $0x80, $0x38;
	[tilespmem:$0x14880] =	vst v63  }
0x25f: {  	s30 =	sadd.s32 $0x12818, s0;
	s31 =	sadd.s32 $0x30, s1  }
0x260: {  	[hbm4b:s31+s4] =	stream.linear.scatter [tilespmem:s30], [sflag:$0x4], $0x80, $0x38;
	[tilespmem:$0x14880] =	vst v63  }
0x261: {  	s29 =	sadd.s32 $0x1, s29;
	s17 =	sadd.s32 $0x128A0, s0;
	s18 =	sadd.s32 $0x40, s1  }
0x262: {  	[hbm4b:s18+s4] =	stream.linear.scatter [tilespmem:s17], [sflag:$0x4], $0x80, $0x38;
	[tilespmem:$0x14880] =	vst v63  }
0x263: {  	p0 =	sne.s32 s29, $0x64;
	s30 =	sadd.s32 $0x12928, s0;
	s31 =	sadd.s32 $0x50, s1  }
0x264: {  	[hbm4b:s31+s4] =	stream.linear.scatter [tilespmem:s30], [sflag:$0x4], $0x80, $0x38;
	[tilespmem:$0x14880] =	vst v63  }
.Ltmp8:
0x265: {  	_ = 	snop;
	(pc) =	sbr.rel @p0 .LBB2_4-.Ltmp8, $4  }
0x266: {  	s17 =	sadd.s32 $0x129B0, s0;
	s18 =	sadd.s32 $0x60, s1  }
0x267: {  	[hbm4b:s18+s4] =	stream.linear.scatter [tilespmem:s17], [sflag:$0x4], $0x80, $0x38;
	[tilespmem:$0x14880] =	vst v63  }
0x268: {  	s30 =	sadd.s32 $0x12A38, s0;
	s31 =	sadd.s32 $0x70, s1  }
0x269: {  	[hbm4b:s31+s4] =	stream.linear.scatter [tilespmem:s30], [sflag:$0x4], $0x80, $0x38;
	[tilespmem:$0x14880] =	vst v63  }
0x26a: {  	s26 =	sadd.s32 $0x1, s26  }
0x26b: {  	_ =	swait.ge [sflag:s16], $0x2000;
	p0 =	sne.s32 s26, s12  }
.Ltmp9:
0x26c: {  	[sflag:s16] =	ssyncset.done $0x0;
	(pc) =	sbr.rel @p0 .LBB2_1-.Ltmp9, $4  }
0x26d: {  	[sflag:s16] =	ssyncadd.s32 $0xFFFFE000  }
0x26e: {  	_ =	swait.ge [sflag:s24], $0x2000  }
0x26f: {  	[sflag:s24] =	ssyncset.done $0x0  }
0x270: {  	[sflag:s24] =	ssyncadd.s32 $0xFFFFE000  }
0x271: {  	_ =	sfence.sel $0x180000  }
0x272: {  	[bflag:$0x0] =	sbarrier.arrive $0xFFFF  }
0x273: {  	_ =	strace $0x90000047  }
0x274: {  	s0 =	stileid.u32;
	[bflag:$0x2] =	sbarrier.arrive $0xFFFF  }
0x275: {  	p0 =	sne.s32 s0, $0x0;
	s0 =	rddreg [dreg:$0x5]  }
0x276: {  	s0 =	sadd.s32 @!p0 $0x100000, s0  }
0x277: {  	[sflag:s0] =	ssyncadd.tile.s32 @!p0 $0x1;
	_ =	shalt  }
.Lfunc_end2:
_tile_overlayer_lowered:
.L_overlay_start_2:
0x278: {  	(tag) =	ssettag $0x2  }
0x279: {  	s0 =	rddreg [dreg:$0x0];
	s2 =	stileid.u32  }
0x27a: {  	s1 =	rddreg [dreg:$0x1];
	p0 =	sne.s32 s2, $0x0  }
0x27b: {  	s3 =	rddreg [dreg:$0x2];
	[bflag:$0x3] =	sbarrier.arrive $0xFFFF;
	s2 =	simm.s32 @!p0 $0x1C05  }
0x27c: {  	[timem:s3], [sflag:s2] =	dma.local @!p0 [hbm:s0], s1  }
0x27d: {  	s0 =	simm.s32 @!p0 $0x5  }
0x27e: {  	_ =	swait.ge @!p0 [sflag:s0], s1  }
0x27f: {  	s1 =	ssub.s32 @!p0 $0x0, s1;
	[sflag:s0] =	ssyncset.done @!p0 $0x0  }
0x280: {  	[sflag:s0] =	ssyncadd.s32 @!p0 s1  }
0x281: {  	[bflag:$0x3] =	sbarrier.arrive $0xFFFF  }
0x282: {  	_ =	shalt  }

</sc_bundles>
